<compile_context>
chip_gen: v7x
topology: tpu7x:2x2x1
jax: 0.10.2.dev20260603
libtpu: 0.0.44.dev20260713+nightly
codegen_flags: <defaults>
</compile_context>

<pallas_src>
import functools

import jax
import jax.numpy as jnp
from jax import lax
from jax.experimental import pallas as pl
from jax.experimental.pallas import tpu as pltpu
from jax.experimental.pallas import tpu_sc as plsc

NC = 2
NS = 16
NW = NC * NS

SEQ = 200
EMBED = 64
LANES = 16
VPR = EMBED // LANES

SPLITS = ((0, 104), (104, 96))

G = 1
NBUF = 3
TW = 2 * EMBED


def _build(batch):
    seqs_per_w = batch // NW
    ngroups = seqs_per_w // G
    mesh = plsc.VectorSubcoreMesh(core_axis_name="c", subcore_axis_name="s")

    @functools.partial(
        pl.kernel,
        mesh=mesh,
        compiler_params=pltpu.CompilerParams(
            use_tc_tiling_on_sc=False, needs_layout_passes=False),
        out_type=jax.ShapeDtypeStruct((batch, SEQ, 2 * EMBED), jnp.float32),
        scratch_types=[
            pltpu.VMEM((SEQ, EMBED), jnp.float32),
            pltpu.VMEM((NBUF, G, SEQ), jnp.int32),
            pltpu.VMEM((NBUF, G, SEQ, TW), jnp.float32),
            pltpu.SemaphoreType.DMA((NBUF,)),
            pltpu.SemaphoreType.DMA((NBUF,)),
        ],
    )
    def body(x_hbm, tok_hbm, pos_hbm, out_hbm, pos_v, idx_v, rows_v, gsems, osems):
        wid = lax.axis_index("s") * NC + lax.axis_index("c")
        base_seq = wid * seqs_per_w
        pltpu.sync_copy(pos_hbm, pos_v)

        def prefill(b):
            def row(r, c):
                for j in range(VPR):
                    sl = pl.ds(j * LANES, LANES)
                    v = pos_v[r, sl]
                    for s in range(G):
                        rows_v[b, s, r, sl] = v
                return c

            lax.fori_loop(0, SEQ, row, 0, unroll=2)

        def issue_gather(g, b):
            s0 = base_seq + g * G
            pltpu.sync_copy(x_hbm.at[pl.ds(s0, G)], idx_v.at[b])
            for s in range(G):
                for (o, n) in SPLITS:
                    pltpu.async_copy(
                        tok_hbm.at[idx_v.at[b, s, pl.ds(o, n)]],
                        rows_v.at[b, s, pl.ds(o, n)],
                        gsems.at[b], add=True)

        def drain_gather(b):
            for s in range(G):
                for (o, n) in SPLITS:
                    pltpu.make_async_copy(
                        tok_hbm.at[idx_v.at[b, s, pl.ds(o, n)]],
                        rows_v.at[b, s, pl.ds(o, n)],
                        gsems.at[b]).wait()

        def issue_out(g, b):
            s0 = base_seq + g * G
            pltpu.async_copy(rows_v.at[b, :, :, pl.ds(0, EMBED)],
                             out_hbm.at[pl.ds(s0, G), :, pl.ds(0, EMBED)],
                             osems.at[b])

        def drain_out(g, b):
            s0 = base_seq + g * G
            pltpu.make_async_copy(rows_v.at[b, :, :, pl.ds(0, EMBED)],
                                  out_hbm.at[pl.ds(s0, G), :, pl.ds(0, EMBED)],
                                  osems.at[b]).wait()

        prefill(0)
        issue_gather(0, 0)

        def step(g, carry):
            b = lax.rem(g, NBUF)
            bn = lax.rem(g + 1, NBUF)

            @pl.when(g >= 2)
            def _():
                drain_out(g - 2, bn)

            @pl.when(g + 1 < ngroups)
            def _():
                prefill(bn)
                issue_gather(g + 1, bn)

            drain_gather(b)
            issue_out(g, b)
            return carry

        lax.fori_loop(0, ngroups, step, 0)

        for g in (ngroups - 2, ngroups - 1):
            drain_out(g, g % NBUF)

    return body


def kernel(x, token_table, pos_table):
    batch = x.shape[0]
    tok_wide = jnp.pad(token_table, ((0, 0), (0, TW - EMBED)))
    run = _build(batch)
    padded = run(x.astype(jnp.int32), tok_wide, pos_table)
    return padded[:, :, :EMBED]

# --- scband reference (transcript-rebuilt; emitter-appended) ---
"""Pipeline reference for scband-token-and-position-embedding-15324443312850 (READ-ONLY COPY).

The authoritative reference and input builder live on the scoring server;
editing this copy changes nothing except your own understanding.
"""

import jax, jax.numpy as jnp
import numpy as np

VOCAB = 1000000
MAXLEN = 200
EMBED_DIM = 64
BATCH = 4096
SEQ = 200

def setup_inputs(seed: int = 0) -> dict:
    key = jax.random.key(seed)
    k1, k2, k3 = jax.random.split(key, 3)
    x = jax.random.randint(k1, (BATCH, SEQ), 0, VOCAB, dtype=jnp.int64 if jax.config.jax_enable_x64 else jnp.int32)
    token_table = jax.random.normal(k2, (VOCAB, EMBED_DIM), dtype=jnp.float32) * 0.05
    pos_table = jax.random.normal(k3, (MAXLEN, EMBED_DIM), dtype=jnp.float32) * 0.05
    return {"x": x, "token_table": token_table, "pos_table": pos_table}

def reference(x, token_table, pos_table):
    # maxlen = tf.shape(x)[-1]; positions = range(maxlen); pos_emb(positions)
    seq_len = x.shape[-1]
    positions = jnp.arange(seq_len)
    pos = jnp.take(pos_table, positions, axis=0)            # [seq, d]
    tok = jnp.take(token_table, x, axis=0)                   # [B, seq, d]
    return tok + pos[None, :, :]

if __name__ == "__main__":
    import jax
    _d = setup_inputs()
    print(jax.jit(kernel)(*tuple(_d.values())))

</pallas_src>

<mosaic_0001>
#map = affine_map<(d0, d1) -> (0, 0)>
#map1 = affine_map<(d0, d1) -> (0, 0, 0)>
module attributes {stable_mosaic.version = 14 : i64} {
  func.func @body(%arg0: i32, %arg1: i32, %arg2: memref<4096x200xi32, #tpu.memory_space<hbm>>, %arg3: memref<1000000x128xf32, #tpu.memory_space<hbm>>, %arg4: memref<200x64xf32, #tpu.memory_space<hbm>>, %arg5: memref<4096x200x128xf32, #tpu.memory_space<hbm>>, %arg6: memref<200x64xf32, #tpu.memory_space<vmem>>, %arg7: memref<3x1x200xi32, #tpu.memory_space<vmem>>, %arg8: memref<3x1x200x128xf32, #tpu.memory_space<vmem>>, %arg9: memref<3x!tpu.dma_semaphore, #tpu.memory_space<semaphore_mem>>, %arg10: memref<3x!tpu.dma_semaphore, #tpu.memory_space<semaphore_mem>>) attributes {dimension_semantics = [#tpu.dimension_semantics<core_parallel>, #tpu.dimension_semantics<subcore_parallel>], iteration_bounds = array<i64: 2, 16>, scalar_prefetch = 0 : i64, scratch_operands = 5 : i64, tpu.core_type = #tpu.core_type<sc_vector_subcore>, window_params = [{transform_indices = #map}, {transform_indices = #map}, {transform_indices = #map}, {transform_indices = #map1}]} {
    %mul3A = arith.constant 2 : i32
    %mul3A_0 = arith.muli %arg1, %mul3A : i32
    %add3A = arith.addi %mul3A_0, %arg0 : i32
    %mul3A_1 = arith.constant 128 : i32
    %mul3A_2 = arith.muli %add3A, %mul3A_1 : i32
    "tpu.region"() ({
      %run_scoped3A_92 = tpu.sem_alloc : memref<!tpu.dma_semaphore, #tpu.memory_space<semaphore_mem>>
      tpu.enqueue_dma source(%arg4 : memref<200x64xf32, #tpu.memory_space<hbm>>) target(%arg6 : memref<200x64xf32, #tpu.memory_space<vmem>>) target_semaphore(%run_scoped3A_92 : memref<!tpu.dma_semaphore, #tpu.memory_space<semaphore_mem>>)
      tpu.wait_dma2 semaphore(%run_scoped3A_92 : memref<!tpu.dma_semaphore, #tpu.memory_space<semaphore_mem>>) src(%arg4 : memref<200x64xf32, #tpu.memory_space<hbm>>) dst(%arg6 : memref<200x64xf32, #tpu.memory_space<vmem>>)
      tpu.yield
    }) : () -> ()
    %scan3A = arith.constant 0 : i32
    %scan3A_3 = arith.constant 0 : i32
    %scan3A_4 = arith.constant 200 : i32
    %scan3A_5 = arith.addi %scan3A_3, %scan3A_4 : i32
    %scan3A_6 = arith.constant 2 : i32
    scf.for %scan3A_92 = %scan3A_3 to %scan3A_5 step %scan3A_6  : i32 {
      %get3A = arith.index_cast %scan3A_92 : i32 to index
      %get3A_93 = arith.constant 0 : index
      %get3A_94 = tpu.vector_load %arg6[%get3A, %get3A_93] {strides = array<i32>} : memref<200x64xf32, #tpu.memory_space<vmem>>, vector<16xf32>,
      %swap3A = arith.constant 0 : i32
      %swap3A_95 = arith.constant 0 : i32
      %swap3A_96 = arith.index_cast %swap3A : i32 to index
      %swap3A_97 = arith.index_cast %swap3A_95 : i32 to index
      %swap3A_98 = arith.index_cast %scan3A_92 : i32 to index
      %swap3A_99 = arith.constant 0 : index
      %swap3A_100 = tpu.vector_load %arg8[%swap3A_96, %swap3A_97, %swap3A_98, %swap3A_99] {strides = array<i32>} : memref<3x1x200x128xf32, #tpu.memory_space<vmem>>, vector<16xf32>,
      tpu.vector_store %arg8[%swap3A_96, %swap3A_97, %swap3A_98, %swap3A_99], %get3A_94 {strides = array<i32>} : memref<3x1x200x128xf32, #tpu.memory_space<vmem>>, vector<16xf32>,
      %get3A_101 = arith.index_cast %scan3A_92 : i32 to index
      %get3A_102 = arith.constant 16 : index
      %get3A_103 = tpu.vector_load %arg6[%get3A_101, %get3A_102] {strides = array<i32>} : memref<200x64xf32, #tpu.memory_space<vmem>>, vector<16xf32>,
      %swap3A_104 = arith.constant 0 : i32
      %swap3A_105 = arith.constant 0 : i32
      %swap3A_106 = arith.index_cast %swap3A_104 : i32 to index
      %swap3A_107 = arith.index_cast %swap3A_105 : i32 to index
      %swap3A_108 = arith.index_cast %scan3A_92 : i32 to index
      %swap3A_109 = arith.constant 16 : index
      %swap3A_110 = tpu.vector_load %arg8[%swap3A_106, %swap3A_107, %swap3A_108, %swap3A_109] {strides = array<i32>} : memref<3x1x200x128xf32, #tpu.memory_space<vmem>>, vector<16xf32>,
      tpu.vector_store %arg8[%swap3A_106, %swap3A_107, %swap3A_108, %swap3A_109], %get3A_103 {strides = array<i32>} : memref<3x1x200x128xf32, #tpu.memory_space<vmem>>, vector<16xf32>,
      %get3A_111 = arith.index_cast %scan3A_92 : i32 to index
      %get3A_112 = arith.constant 32 : index
      %get3A_113 = tpu.vector_load %arg6[%get3A_111, %get3A_112] {strides = array<i32>} : memref<200x64xf32, #tpu.memory_space<vmem>>, vector<16xf32>,
      %swap3A_114 = arith.constant 0 : i32
      %swap3A_115 = arith.constant 0 : i32
      %swap3A_116 = arith.index_cast %swap3A_114 : i32 to index
      %swap3A_117 = arith.index_cast %swap3A_115 : i32 to index
      %swap3A_118 = arith.index_cast %scan3A_92 : i32 to index
      %swap3A_119 = arith.constant 32 : index
      %swap3A_120 = tpu.vector_load %arg8[%swap3A_116, %swap3A_117, %swap3A_118, %swap3A_119] {strides = array<i32>} : memref<3x1x200x128xf32, #tpu.memory_space<vmem>>, vector<16xf32>,
      tpu.vector_store %arg8[%swap3A_116, %swap3A_117, %swap3A_118, %swap3A_119], %get3A_113 {strides = array<i32>} : memref<3x1x200x128xf32, #tpu.memory_space<vmem>>, vector<16xf32>,
      %get3A_121 = arith.index_cast %scan3A_92 : i32 to index
      %get3A_122 = arith.constant 48 : index
      %get3A_123 = tpu.vector_load %arg6[%get3A_121, %get3A_122] {strides = array<i32>} : memref<200x64xf32, #tpu.memory_space<vmem>>, vector<16xf32>,
      %swap3A_124 = arith.constant 0 : i32
      %swap3A_125 = arith.constant 0 : i32
      %swap3A_126 = arith.index_cast %swap3A_124 : i32 to index
      %swap3A_127 = arith.index_cast %swap3A_125 : i32 to index
      %swap3A_128 = arith.index_cast %scan3A_92 : i32 to index
      %swap3A_129 = arith.constant 48 : index
      %swap3A_130 = tpu.vector_load %arg8[%swap3A_126, %swap3A_127, %swap3A_128, %swap3A_129] {strides = array<i32>} : memref<3x1x200x128xf32, #tpu.memory_space<vmem>>, vector<16xf32>,
      tpu.vector_store %arg8[%swap3A_126, %swap3A_127, %swap3A_128, %swap3A_129], %get3A_123 {strides = array<i32>} : memref<3x1x200x128xf32, #tpu.memory_space<vmem>>, vector<16xf32>,
      %scan3A_131 = arith.constant 1 : i32
      %scan3A_132 = arith.addi %scan3A_92, %scan3A_131 : i32
      %get3A_133 = arith.index_cast %scan3A_132 : i32 to index
      %get3A_134 = arith.constant 0 : index
      %get3A_135 = tpu.vector_load %arg6[%get3A_133, %get3A_134] {strides = array<i32>} : memref<200x64xf32, #tpu.memory_space<vmem>>, vector<16xf32>,
      %swap3A_136 = arith.constant 0 : i32
      %swap3A_137 = arith.constant 0 : i32
      %swap3A_138 = arith.index_cast %swap3A_136 : i32 to index
      %swap3A_139 = arith.index_cast %swap3A_137 : i32 to index
      %swap3A_140 = arith.index_cast %scan3A_132 : i32 to index
      %swap3A_141 = arith.constant 0 : index
      %swap3A_142 = tpu.vector_load %arg8[%swap3A_138, %swap3A_139, %swap3A_140, %swap3A_141] {strides = array<i32>} : memref<3x1x200x128xf32, #tpu.memory_space<vmem>>, vector<16xf32>,
      tpu.vector_store %arg8[%swap3A_138, %swap3A_139, %swap3A_140, %swap3A_141], %get3A_135 {strides = array<i32>} : memref<3x1x200x128xf32, #tpu.memory_space<vmem>>, vector<16xf32>,
      %get3A_143 = arith.index_cast %scan3A_132 : i32 to index
      %get3A_144 = arith.constant 16 : index
      %get3A_145 = tpu.vector_load %arg6[%get3A_143, %get3A_144] {strides = array<i32>} : memref<200x64xf32, #tpu.memory_space<vmem>>, vector<16xf32>,
      %swap3A_146 = arith.constant 0 : i32
      %swap3A_147 = arith.constant 0 : i32
      %swap3A_148 = arith.index_cast %swap3A_146 : i32 to index
      %swap3A_149 = arith.index_cast %swap3A_147 : i32 to index
      %swap3A_150 = arith.index_cast %scan3A_132 : i32 to index
      %swap3A_151 = arith.constant 16 : index
      %swap3A_152 = tpu.vector_load %arg8[%swap3A_148, %swap3A_149, %swap3A_150, %swap3A_151] {strides = array<i32>} : memref<3x1x200x128xf32, #tpu.memory_space<vmem>>, vector<16xf32>,
      tpu.vector_store %arg8[%swap3A_148, %swap3A_149, %swap3A_150, %swap3A_151], %get3A_145 {strides = array<i32>} : memref<3x1x200x128xf32, #tpu.memory_space<vmem>>, vector<16xf32>,
      %get3A_153 = arith.index_cast %scan3A_132 : i32 to index
      %get3A_154 = arith.constant 32 : index
      %get3A_155 = tpu.vector_load %arg6[%get3A_153, %get3A_154] {strides = array<i32>} : memref<200x64xf32, #tpu.memory_space<vmem>>, vector<16xf32>,
      %swap3A_156 = arith.constant 0 : i32
      %swap3A_157 = arith.constant 0 : i32
      %swap3A_158 = arith.index_cast %swap3A_156 : i32 to index
      %swap3A_159 = arith.index_cast %swap3A_157 : i32 to index
      %swap3A_160 = arith.index_cast %scan3A_132 : i32 to index
      %swap3A_161 = arith.constant 32 : index
      %swap3A_162 = tpu.vector_load %arg8[%swap3A_158, %swap3A_159, %swap3A_160, %swap3A_161] {strides = array<i32>} : memref<3x1x200x128xf32, #tpu.memory_space<vmem>>, vector<16xf32>,
      tpu.vector_store %arg8[%swap3A_158, %swap3A_159, %swap3A_160, %swap3A_161], %get3A_155 {strides = array<i32>} : memref<3x1x200x128xf32, #tpu.memory_space<vmem>>, vector<16xf32>,
      %get3A_163 = arith.index_cast %scan3A_132 : i32 to index
      %get3A_164 = arith.constant 48 : index
      %get3A_165 = tpu.vector_load %arg6[%get3A_163, %get3A_164] {strides = array<i32>} : memref<200x64xf32, #tpu.memory_space<vmem>>, vector<16xf32>,
      %swap3A_166 = arith.constant 0 : i32
      %swap3A_167 = arith.constant 0 : i32
      %swap3A_168 = arith.index_cast %swap3A_166 : i32 to index
      %swap3A_169 = arith.index_cast %swap3A_167 : i32 to index
      %swap3A_170 = arith.index_cast %scan3A_132 : i32 to index
      %swap3A_171 = arith.constant 48 : index
      %swap3A_172 = tpu.vector_load %arg8[%swap3A_168, %swap3A_169, %swap3A_170, %swap3A_171] {strides = array<i32>} : memref<3x1x200x128xf32, #tpu.memory_space<vmem>>, vector<16xf32>,
      tpu.vector_store %arg8[%swap3A_168, %swap3A_169, %swap3A_170, %swap3A_171], %get3A_165 {strides = array<i32>} : memref<3x1x200x128xf32, #tpu.memory_space<vmem>>, vector<16xf32>,
    }
    %scan3A_7 = arith.constant 200 : i32
    %add3A_8 = arith.constant 0 : i32
    %add3A_9 = arith.addi %mul3A_2, %add3A_8 : i32
    %run_scoped3A = arith.constant 0 : i32
    "tpu.region"() ({
      %run_scoped3A_92 = tpu.sem_alloc : memref<!tpu.dma_semaphore, #tpu.memory_space<semaphore_mem>>
      %dma_start3A_93 = arith.constant 0 : i32
      %dma_start3A_94 = arith.constant 0 : i32
      %dma_start3A_95 = tpu.memref_slice %arg7[%run_scoped3A, %dma_start3A_93, %dma_start3A_94] : memref<3x1x200xi32, #tpu.memory_space<vmem>> -> memref<1x1x200xi32, #tpu.memory_space<vmem>>
      %dma_start3A_96 = tpu.memref_squeeze %dma_start3A_95 : memref<1x1x200xi32, #tpu.memory_space<vmem>> -> memref<1x200xi32, #tpu.memory_space<vmem>>
      %dma_start3A_97 = arith.constant 0 : i32
      %dma_start3A_98 = tpu.memref_slice %arg2[%add3A_9, %dma_start3A_97] : memref<4096x200xi32, #tpu.memory_space<hbm>> -> memref<1x200xi32, #tpu.memory_space<hbm>>
      %dma_start3A_99 = arith.constant 0 : i32
      %dma_start3A_100 = arith.constant 0 : i32
      %dma_start3A_101 = tpu.memref_slice %arg7[%run_scoped3A, %dma_start3A_99, %dma_start3A_100] : memref<3x1x200xi32, #tpu.memory_space<vmem>> -> memref<1x1x200xi32, #tpu.memory_space<vmem>>
      %dma_start3A_102 = tpu.memref_squeeze %dma_start3A_101 : memref<1x1x200xi32, #tpu.memory_space<vmem>> -> memref<1x200xi32, #tpu.memory_space<vmem>>
      %dma_start3A_103 = arith.constant 0 : i32
      %dma_start3A_104 = tpu.memref_slice %arg2[%add3A_9, %dma_start3A_103] : memref<4096x200xi32, #tpu.memory_space<hbm>> -> memref<1x200xi32, #tpu.memory_space<hbm>>
      tpu.enqueue_dma source(%dma_start3A_104 : memref<1x200xi32, #tpu.memory_space<hbm>>) target(%dma_start3A_102 : memref<1x200xi32, #tpu.memory_space<vmem>>) target_semaphore(%run_scoped3A_92 : memref<!tpu.dma_semaphore, #tpu.memory_space<semaphore_mem>>)
      %dma_wait3A_105 = arith.constant 0 : i32
      %dma_wait3A_106 = arith.constant 0 : i32
      %dma_wait3A_107 = tpu.memref_slice %arg7[%run_scoped3A, %dma_wait3A_105, %dma_wait3A_106] : memref<3x1x200xi32, #tpu.memory_space<vmem>> -> memref<1x1x200xi32, #tpu.memory_space<vmem>>
      %dma_wait3A_108 = tpu.memref_squeeze %dma_wait3A_107 : memref<1x1x200xi32, #tpu.memory_space<vmem>> -> memref<1x200xi32, #tpu.memory_space<vmem>>
      %dma_wait3A_109 = arith.constant 0 : i32
      %dma_wait3A_110 = tpu.memref_slice %arg2[%add3A_9, %dma_wait3A_109] : memref<4096x200xi32, #tpu.memory_space<hbm>> -> memref<1x200xi32, #tpu.memory_space<hbm>>
      %dma_wait3A_111 = arith.constant 0 : i32
      %dma_wait3A_112 = arith.constant 0 : i32
      %dma_wait3A_113 = tpu.memref_slice %arg7[%run_scoped3A, %dma_wait3A_111, %dma_wait3A_112] : memref<3x1x200xi32, #tpu.memory_space<vmem>> -> memref<1x1x200xi32, #tpu.memory_space<vmem>>
      %dma_wait3A_114 = tpu.memref_squeeze %dma_wait3A_113 : memref<1x1x200xi32, #tpu.memory_space<vmem>> -> memref<1x200xi32, #tpu.memory_space<vmem>>
      %dma_wait3A_115 = arith.constant 0 : i32
      %dma_wait3A_116 = tpu.memref_slice %arg2[%add3A_9, %dma_wait3A_115] : memref<4096x200xi32, #tpu.memory_space<hbm>> -> memref<1x200xi32, #tpu.memory_space<hbm>>
      tpu.wait_dma2 semaphore(%run_scoped3A_92 : memref<!tpu.dma_semaphore, #tpu.memory_space<semaphore_mem>>) src(%dma_wait3A_116 : memref<1x200xi32, #tpu.memory_space<hbm>>) dst(%dma_wait3A_114 : memref<1x200xi32, #tpu.memory_space<vmem>>)
      tpu.yield
    }) : () -> ()
    %dma_start3A = arith.constant 0 : i32
    %dma_start3A_10 = arith.constant 0 : i32
    %dma_start3A_11 = arith.constant 0 : i32
    %dma_start3A_12 = arith.constant 0 : i32
    %dma_start3A_13 = arith.constant 0 : i32
    %dma_start3A_14 = arith.constant 0 : i32
    %dma_start3A_15 = arith.constant 0 : i32
    %dma_start3A_16 = tpu.memref_slice %arg8[%dma_start3A_11, %dma_start3A_12, %dma_start3A_14, %dma_start3A_15] : memref<3x1x200x128xf32, #tpu.memory_space<vmem>> -> memref<1x1x104x128xf32, #tpu.memory_space<vmem>>
    %dma_start3A_17 = tpu.memref_squeeze %dma_start3A_16 : memref<1x1x104x128xf32, #tpu.memory_space<vmem>> -> memref<104x128xf32, #tpu.memory_space<vmem>>
    %dma_start3A_18 = arith.constant 0 : i32
    %dma_start3A_19 = tpu.memref_slice %arg7[%dma_start3A, %dma_start3A_10, %dma_start3A_18] : memref<3x1x200xi32, #tpu.memory_space<vmem>> -> memref<1x1x104xi32, #tpu.memory_space<vmem>>
    %dma_start3A_20 = tpu.memref_squeeze %dma_start3A_19 : memref<1x1x104xi32, #tpu.memory_space<vmem>> -> memref<104xi32, #tpu.memory_space<vmem>>
    %dma_start3A_21 = arith.constant 0 : i32
    %dma_start3A_22 = arith.constant 0 : i32
    %dma_start3A_23 = tpu.memref_slice %arg3[%dma_start3A_21, %dma_start3A_22] : memref<1000000x128xf32, #tpu.memory_space<hbm>> -> memref<1000000x128xf32, #tpu.memory_space<hbm>>
    %dma_start3A_24 = tpu.memref_slice %arg9[%dma_start3A_13] : memref<3x!tpu.dma_semaphore, #tpu.memory_space<semaphore_mem>> -> memref<1x!tpu.dma_semaphore, #tpu.memory_space<semaphore_mem>>
    %dma_start3A_25 = tpu.memref_squeeze %dma_start3A_24 : memref<1x!tpu.dma_semaphore, #tpu.memory_space<semaphore_mem>> -> memref<!tpu.dma_semaphore, #tpu.memory_space<semaphore_mem>>
    tpu.enqueue_indirect_dma source(%dma_start3A_23 : memref<1000000x128xf32, #tpu.memory_space<hbm>>) target(%dma_start3A_17 : memref<104x128xf32, #tpu.memory_space<vmem>>) offsets(%dma_start3A_20 : memref<104xi32, #tpu.memory_space<vmem>>) semaphore(%dma_start3A_25 : memref<!tpu.dma_semaphore, #tpu.memory_space<semaphore_mem>>) {add = true}
    %dma_start3A_26 = arith.constant 0 : i32
    %dma_start3A_27 = arith.constant 0 : i32
    %dma_start3A_28 = arith.constant 0 : i32
    %dma_start3A_29 = arith.constant 0 : i32
    %dma_start3A_30 = arith.constant 0 : i32
    %dma_start3A_31 = arith.constant 104 : i32
    %dma_start3A_32 = arith.constant 0 : i32
    %dma_start3A_33 = tpu.memref_slice %arg8[%dma_start3A_28, %dma_start3A_29, %dma_start3A_31, %dma_start3A_32] : memref<3x1x200x128xf32, #tpu.memory_space<vmem>> -> memref<1x1x96x128xf32, #tpu.memory_space<vmem>>
    %dma_start3A_34 = tpu.memref_squeeze %dma_start3A_33 : memref<1x1x96x128xf32, #tpu.memory_space<vmem>> -> memref<96x128xf32, #tpu.memory_space<vmem>>
    %dma_start3A_35 = arith.constant 104 : i32
    %dma_start3A_36 = tpu.memref_slice %arg7[%dma_start3A_26, %dma_start3A_27, %dma_start3A_35] : memref<3x1x200xi32, #tpu.memory_space<vmem>> -> memref<1x1x96xi32, #tpu.memory_space<vmem>>
    %dma_start3A_37 = tpu.memref_squeeze %dma_start3A_36 : memref<1x1x96xi32, #tpu.memory_space<vmem>> -> memref<96xi32, #tpu.memory_space<vmem>>
    %dma_start3A_38 = arith.constant 0 : i32
    %dma_start3A_39 = arith.constant 0 : i32
    %dma_start3A_40 = tpu.memref_slice %arg3[%dma_start3A_38, %dma_start3A_39] : memref<1000000x128xf32, #tpu.memory_space<hbm>> -> memref<1000000x128xf32, #tpu.memory_space<hbm>>
    %dma_start3A_41 = tpu.memref_slice %arg9[%dma_start3A_30] : memref<3x!tpu.dma_semaphore, #tpu.memory_space<semaphore_mem>> -> memref<1x!tpu.dma_semaphore, #tpu.memory_space<semaphore_mem>>
    %dma_start3A_42 = tpu.memref_squeeze %dma_start3A_41 : memref<1x!tpu.dma_semaphore, #tpu.memory_space<semaphore_mem>> -> memref<!tpu.dma_semaphore, #tpu.memory_space<semaphore_mem>>
    tpu.enqueue_indirect_dma source(%dma_start3A_40 : memref<1000000x128xf32, #tpu.memory_space<hbm>>) target(%dma_start3A_34 : memref<96x128xf32, #tpu.memory_space<vmem>>) offsets(%dma_start3A_37 : memref<96xi32, #tpu.memory_space<vmem>>) semaphore(%dma_start3A_42 : memref<!tpu.dma_semaphore, #tpu.memory_space<semaphore_mem>>) {add = true}
    %scan3A_43 = arith.constant 0 : i32
    %scan3A_44 = arith.constant 0 : i32
    %scan3A_45 = arith.constant 128 : i32
    %scan3A_46 = arith.addi %scan3A_44, %scan3A_45 : i32
    %scan3A_47 = arith.constant 1 : i32
    scf.for %scan3A_92 = %scan3A_44 to %scan3A_46 step %scan3A_47  : i32 {
      %rem3A = arith.constant 3 : i32
      %rem3A_93 = arith.remsi %scan3A_92, %rem3A : i32
      %add3A_94 = arith.constant 1 : i32
      %add3A_95 = arith.addi %scan3A_92, %add3A_94 : i32
      %rem3A_96 = arith.constant 3 : i32
      %rem3A_97 = arith.remsi %add3A_95, %rem3A_96 : i32
      %ge3A = arith.constant 2 : i32
      %ge3A_98 = arith.cmpi sge, %scan3A_92, %ge3A : i32
      %convert_element_type3A = arith.extui %ge3A_98 : i1 to i32
      %cond3A = arith.constant 0 : i32
      %cond3A_99 = arith.cmpi ne, %convert_element_type3A, %cond3A : i32
      scf.if %cond3A_99 {
        %sub3A = arith.constant 2 : i32
        %sub3A_155 = arith.subi %scan3A_92, %sub3A : i32
        %mul3A_156 = arith.constant 1 : i32
        %mul3A_157 = arith.muli %sub3A_155, %mul3A_156 : i32
        %add3A_158 = arith.addi %mul3A_2, %mul3A_157 : i32
        %dma_wait3A_159 = arith.constant 0 : i32
        %dma_wait3A_160 = arith.constant 0 : i32
        %dma_wait3A_161 = arith.constant 0 : i32
        %dma_wait3A_162 = tpu.memref_slice %arg8[%rem3A_97, %dma_wait3A_159, %dma_wait3A_160, %dma_wait3A_161] : memref<3x1x200x128xf32, #tpu.memory_space<vmem>> -> memref<1x1x200x64xf32, #tpu.memory_space<vmem>>
        %dma_wait3A_163 = tpu.memref_squeeze %dma_wait3A_162 : memref<1x1x200x64xf32, #tpu.memory_space<vmem>> -> memref<1x200x64xf32, #tpu.memory_space<vmem>>
        %dma_wait3A_164 = arith.constant 0 : i32
        %dma_wait3A_165 = arith.constant 0 : i32
        %dma_wait3A_166 = tpu.memref_slice %arg5[%add3A_158, %dma_wait3A_164, %dma_wait3A_165] : memref<4096x200x128xf32, #tpu.memory_space<hbm>> -> memref<1x200x64xf32, #tpu.memory_space<hbm>>
        %dma_wait3A_167 = tpu.memref_slice %arg10[%rem3A_97] : memref<3x!tpu.dma_semaphore, #tpu.memory_space<semaphore_mem>> -> memref<1x!tpu.dma_semaphore, #tpu.memory_space<semaphore_mem>>
        %dma_wait3A_168 = tpu.memref_squeeze %dma_wait3A_167 : memref<1x!tpu.dma_semaphore, #tpu.memory_space<semaphore_mem>> -> memref<!tpu.dma_semaphore, #tpu.memory_space<semaphore_mem>>
        %dma_wait3A_169 = arith.constant 0 : i32
        %dma_wait3A_170 = arith.constant 0 : i32
        %dma_wait3A_171 = tpu.memref_slice %arg5[%add3A_158, %dma_wait3A_169, %dma_wait3A_170] : memref<4096x200x128xf32, #tpu.memory_space<hbm>> -> memref<1x200x64xf32, #tpu.memory_space<hbm>>
        %dma_wait3A_172 = arith.constant 0 : i32
        %dma_wait3A_173 = arith.constant 0 : i32
        %dma_wait3A_174 = arith.constant 0 : i32
        %dma_wait3A_175 = tpu.memref_slice %arg8[%rem3A_97, %dma_wait3A_172, %dma_wait3A_173, %dma_wait3A_174] : memref<3x1x200x128xf32, #tpu.memory_space<vmem>> -> memref<1x1x200x64xf32, #tpu.memory_space<vmem>>
        %dma_wait3A_176 = tpu.memref_squeeze %dma_wait3A_175 : memref<1x1x200x64xf32, #tpu.memory_space<vmem>> -> memref<1x200x64xf32, #tpu.memory_space<vmem>>
        tpu.wait_dma2 semaphore(%dma_wait3A_168 : memref<!tpu.dma_semaphore, #tpu.memory_space<semaphore_mem>>) src(%dma_wait3A_176 : memref<1x200x64xf32, #tpu.memory_space<vmem>>) dst(%dma_wait3A_171 : memref<1x200x64xf32, #tpu.memory_space<hbm>>)
      } else {
      }
      %add3A_100 = arith.constant 1 : i32
      %add3A_101 = arith.addi %scan3A_92, %add3A_100 : i32
      %lt3A = arith.constant 128 : i32
      %lt3A_102 = arith.cmpi slt, %add3A_101, %lt3A : i32
      %convert_element_type3A_103 = arith.extui %lt3A_102 : i1 to i32
      %cond3A_104 = arith.constant 0 : i32
      %cond3A_105 = arith.cmpi ne, %convert_element_type3A_103, %cond3A_104 : i32
      scf.if %cond3A_105 {
        %scan3A_155 = arith.constant 0 : i32
        %scan3A_156 = arith.constant 0 : i32
        %scan3A_157 = arith.constant 200 : i32
        %scan3A_158 = arith.addi %scan3A_156, %scan3A_157 : i32
        %scan3A_159 = arith.constant 2 : i32
        scf.for %scan3A_194 = %scan3A_156 to %scan3A_158 step %scan3A_159  : i32 {
          %get3A = arith.index_cast %scan3A_194 : i32 to index
          %get3A_195 = arith.constant 0 : index
          %get3A_196 = tpu.vector_load %arg6[%get3A, %get3A_195] {strides = array<i32>} : memref<200x64xf32, #tpu.memory_space<vmem>>, vector<16xf32>,
          %swap3A = arith.constant 0 : i32
          %swap3A_197 = arith.index_cast %rem3A_97 : i32 to index
          %swap3A_198 = arith.index_cast %swap3A : i32 to index
          %swap3A_199 = arith.index_cast %scan3A_194 : i32 to index
          %swap3A_200 = arith.constant 0 : index
          %swap3A_201 = tpu.vector_load %arg8[%swap3A_197, %swap3A_198, %swap3A_199, %swap3A_200] {strides = array<i32>} : memref<3x1x200x128xf32, #tpu.memory_space<vmem>>, vector<16xf32>,
          tpu.vector_store %arg8[%swap3A_197, %swap3A_198, %swap3A_199, %swap3A_200], %get3A_196 {strides = array<i32>} : memref<3x1x200x128xf32, #tpu.memory_space<vmem>>, vector<16xf32>,
          %get3A_202 = arith.index_cast %scan3A_194 : i32 to index
          %get3A_203 = arith.constant 16 : index
          %get3A_204 = tpu.vector_load %arg6[%get3A_202, %get3A_203] {strides = array<i32>} : memref<200x64xf32, #tpu.memory_space<vmem>>, vector<16xf32>,
          %swap3A_205 = arith.constant 0 : i32
          %swap3A_206 = arith.index_cast %rem3A_97 : i32 to index
          %swap3A_207 = arith.index_cast %swap3A_205 : i32 to index
          %swap3A_208 = arith.index_cast %scan3A_194 : i32 to index
          %swap3A_209 = arith.constant 16 : index
          %swap3A_210 = tpu.vector_load %arg8[%swap3A_206, %swap3A_207, %swap3A_208, %swap3A_209] {strides = array<i32>} : memref<3x1x200x128xf32, #tpu.memory_space<vmem>>, vector<16xf32>,
          tpu.vector_store %arg8[%swap3A_206, %swap3A_207, %swap3A_208, %swap3A_209], %get3A_204 {strides = array<i32>} : memref<3x1x200x128xf32, #tpu.memory_space<vmem>>, vector<16xf32>,
          %get3A_211 = arith.index_cast %scan3A_194 : i32 to index
          %get3A_212 = arith.constant 32 : index
          %get3A_213 = tpu.vector_load %arg6[%get3A_211, %get3A_212] {strides = array<i32>} : memref<200x64xf32, #tpu.memory_space<vmem>>, vector<16xf32>,
          %swap3A_214 = arith.constant 0 : i32
          %swap3A_215 = arith.index_cast %rem3A_97 : i32 to index
          %swap3A_216 = arith.index_cast %swap3A_214 : i32 to index
          %swap3A_217 = arith.index_cast %scan3A_194 : i32 to index
          %swap3A_218 = arith.constant 32 : index
          %swap3A_219 = tpu.vector_load %arg8[%swap3A_215, %swap3A_216, %swap3A_217, %swap3A_218] {strides = array<i32>} : memref<3x1x200x128xf32, #tpu.memory_space<vmem>>, vector<16xf32>,
          tpu.vector_store %arg8[%swap3A_215, %swap3A_216, %swap3A_217, %swap3A_218], %get3A_213 {strides = array<i32>} : memref<3x1x200x128xf32, #tpu.memory_space<vmem>>, vector<16xf32>,
          %get3A_220 = arith.index_cast %scan3A_194 : i32 to index
          %get3A_221 = arith.constant 48 : index
          %get3A_222 = tpu.vector_load %arg6[%get3A_220, %get3A_221] {strides = array<i32>} : memref<200x64xf32, #tpu.memory_space<vmem>>, vector<16xf32>,
          %swap3A_223 = arith.constant 0 : i32
          %swap3A_224 = arith.index_cast %rem3A_97 : i32 to index
          %swap3A_225 = arith.index_cast %swap3A_223 : i32 to index
          %swap3A_226 = arith.index_cast %scan3A_194 : i32 to index
          %swap3A_227 = arith.constant 48 : index
          %swap3A_228 = tpu.vector_load %arg8[%swap3A_224, %swap3A_225, %swap3A_226, %swap3A_227] {strides = array<i32>} : memref<3x1x200x128xf32, #tpu.memory_space<vmem>>, vector<16xf32>,
          tpu.vector_store %arg8[%swap3A_224, %swap3A_225, %swap3A_226, %swap3A_227], %get3A_222 {strides = array<i32>} : memref<3x1x200x128xf32, #tpu.memory_space<vmem>>, vector<16xf32>,
          %scan3A_229 = arith.constant 1 : i32
          %scan3A_230 = arith.addi %scan3A_194, %scan3A_229 : i32
          %get3A_231 = arith.index_cast %scan3A_230 : i32 to index
          %get3A_232 = arith.constant 0 : index
          %get3A_233 = tpu.vector_load %arg6[%get3A_231, %get3A_232] {strides = array<i32>} : memref<200x64xf32, #tpu.memory_space<vmem>>, vector<16xf32>,
          %swap3A_234 = arith.constant 0 : i32
          %swap3A_235 = arith.index_cast %rem3A_97 : i32 to index
          %swap3A_236 = arith.index_cast %swap3A_234 : i32 to index
          %swap3A_237 = arith.index_cast %scan3A_230 : i32 to index
          %swap3A_238 = arith.constant 0 : index
          %swap3A_239 = tpu.vector_load %arg8[%swap3A_235, %swap3A_236, %swap3A_237, %swap3A_238] {strides = array<i32>} : memref<3x1x200x128xf32, #tpu.memory_space<vmem>>, vector<16xf32>,
          tpu.vector_store %arg8[%swap3A_235, %swap3A_236, %swap3A_237, %swap3A_238], %get3A_233 {strides = array<i32>} : memref<3x1x200x128xf32, #tpu.memory_space<vmem>>, vector<16xf32>,
          %get3A_240 = arith.index_cast %scan3A_230 : i32 to index
          %get3A_241 = arith.constant 16 : index
          %get3A_242 = tpu.vector_load %arg6[%get3A_240, %get3A_241] {strides = array<i32>} : memref<200x64xf32, #tpu.memory_space<vmem>>, vector<16xf32>,
          %swap3A_243 = arith.constant 0 : i32
          %swap3A_244 = arith.index_cast %rem3A_97 : i32 to index
          %swap3A_245 = arith.index_cast %swap3A_243 : i32 to index
          %swap3A_246 = arith.index_cast %scan3A_230 : i32 to index
          %swap3A_247 = arith.constant 16 : index
          %swap3A_248 = tpu.vector_load %arg8[%swap3A_244, %swap3A_245, %swap3A_246, %swap3A_247] {strides = array<i32>} : memref<3x1x200x128xf32, #tpu.memory_space<vmem>>, vector<16xf32>,
          tpu.vector_store %arg8[%swap3A_244, %swap3A_245, %swap3A_246, %swap3A_247], %get3A_242 {strides = array<i32>} : memref<3x1x200x128xf32, #tpu.memory_space<vmem>>, vector<16xf32>,
          %get3A_249 = arith.index_cast %scan3A_230 : i32 to index
          %get3A_250 = arith.constant 32 : index
          %get3A_251 = tpu.vector_load %arg6[%get3A_249, %get3A_250] {strides = array<i32>} : memref<200x64xf32, #tpu.memory_space<vmem>>, vector<16xf32>,
          %swap3A_252 = arith.constant 0 : i32
          %swap3A_253 = arith.index_cast %rem3A_97 : i32 to index
          %swap3A_254 = arith.index_cast %swap3A_252 : i32 to index
          %swap3A_255 = arith.index_cast %scan3A_230 : i32 to index
          %swap3A_256 = arith.constant 32 : index
          %swap3A_257 = tpu.vector_load %arg8[%swap3A_253, %swap3A_254, %swap3A_255, %swap3A_256] {strides = array<i32>} : memref<3x1x200x128xf32, #tpu.memory_space<vmem>>, vector<16xf32>,
          tpu.vector_store %arg8[%swap3A_253, %swap3A_254, %swap3A_255, %swap3A_256], %get3A_251 {strides = array<i32>} : memref<3x1x200x128xf32, #tpu.memory_space<vmem>>, vector<16xf32>,
          %get3A_258 = arith.index_cast %scan3A_230 : i32 to index
          %get3A_259 = arith.constant 48 : index
          %get3A_260 = tpu.vector_load %arg6[%get3A_258, %get3A_259] {strides = array<i32>} : memref<200x64xf32, #tpu.memory_space<vmem>>, vector<16xf32>,
          %swap3A_261 = arith.constant 0 : i32
          %swap3A_262 = arith.index_cast %rem3A_97 : i32 to index
          %swap3A_263 = arith.index_cast %swap3A_261 : i32 to index
          %swap3A_264 = arith.index_cast %scan3A_230 : i32 to index
          %swap3A_265 = arith.constant 48 : index
          %swap3A_266 = tpu.vector_load %arg8[%swap3A_262, %swap3A_263, %swap3A_264, %swap3A_265] {strides = array<i32>} : memref<3x1x200x128xf32, #tpu.memory_space<vmem>>, vector<16xf32>,
          tpu.vector_store %arg8[%swap3A_262, %swap3A_263, %swap3A_264, %swap3A_265], %get3A_260 {strides = array<i32>} : memref<3x1x200x128xf32, #tpu.memory_space<vmem>>, vector<16xf32>,
        }
        %scan3A_160 = arith.constant 200 : i32
        %add3A_161 = arith.constant 1 : i32
        %add3A_162 = arith.addi %scan3A_92, %add3A_161 : i32
        %mul3A_163 = arith.constant 1 : i32
        %mul3A_164 = arith.muli %add3A_162, %mul3A_163 : i32
        %add3A_165 = arith.addi %mul3A_2, %mul3A_164 : i32
        "tpu.region"() ({
          %run_scoped3A_194 = tpu.sem_alloc : memref<!tpu.dma_semaphore, #tpu.memory_space<semaphore_mem>>
          %dma_start3A_195 = arith.constant 0 : i32
          %dma_start3A_196 = arith.constant 0 : i32
          %dma_start3A_197 = tpu.memref_slice %arg7[%rem3A_97, %dma_start3A_195, %dma_start3A_196] : memref<3x1x200xi32, #tpu.memory_space<vmem>> -> memref<1x1x200xi32, #tpu.memory_space<vmem>>
          %dma_start3A_198 = tpu.memref_squeeze %dma_start3A_197 : memref<1x1x200xi32, #tpu.memory_space<vmem>> -> memref<1x200xi32, #tpu.memory_space<vmem>>
          %dma_start3A_199 = arith.constant 0 : i32
          %dma_start3A_200 = tpu.memref_slice %arg2[%add3A_165, %dma_start3A_199] : memref<4096x200xi32, #tpu.memory_space<hbm>> -> memref<1x200xi32, #tpu.memory_space<hbm>>
          %dma_start3A_201 = arith.constant 0 : i32
          %dma_start3A_202 = arith.constant 0 : i32
          %dma_start3A_203 = tpu.memref_slice %arg7[%rem3A_97, %dma_start3A_201, %dma_start3A_202] : memref<3x1x200xi32, #tpu.memory_space<vmem>> -> memref<1x1x200xi32, #tpu.memory_space<vmem>>
          %dma_start3A_204 = tpu.memref_squeeze %dma_start3A_203 : memref<1x1x200xi32, #tpu.memory_space<vmem>> -> memref<1x200xi32, #tpu.memory_space<vmem>>
          %dma_start3A_205 = arith.constant 0 : i32
          %dma_start3A_206 = tpu.memref_slice %arg2[%add3A_165, %dma_start3A_205] : memref<4096x200xi32, #tpu.memory_space<hbm>> -> memref<1x200xi32, #tpu.memory_space<hbm>>
          tpu.enqueue_dma source(%dma_start3A_206 : memref<1x200xi32, #tpu.memory_space<hbm>>) target(%dma_start3A_204 : memref<1x200xi32, #tpu.memory_space<vmem>>) target_semaphore(%run_scoped3A_194 : memref<!tpu.dma_semaphore, #tpu.memory_space<semaphore_mem>>)
          %dma_wait3A_207 = arith.constant 0 : i32
          %dma_wait3A_208 = arith.constant 0 : i32
          %dma_wait3A_209 = tpu.memref_slice %arg7[%rem3A_97, %dma_wait3A_207, %dma_wait3A_208] : memref<3x1x200xi32, #tpu.memory_space<vmem>> -> memref<1x1x200xi32, #tpu.memory_space<vmem>>
          %dma_wait3A_210 = tpu.memref_squeeze %dma_wait3A_209 : memref<1x1x200xi32, #tpu.memory_space<vmem>> -> memref<1x200xi32, #tpu.memory_space<vmem>>
          %dma_wait3A_211 = arith.constant 0 : i32
          %dma_wait3A_212 = tpu.memref_slice %arg2[%add3A_165, %dma_wait3A_211] : memref<4096x200xi32, #tpu.memory_space<hbm>> -> memref<1x200xi32, #tpu.memory_space<hbm>>
          %dma_wait3A_213 = arith.constant 0 : i32
          %dma_wait3A_214 = arith.constant 0 : i32
          %dma_wait3A_215 = tpu.memref_slice %arg7[%rem3A_97, %dma_wait3A_213, %dma_wait3A_214] : memref<3x1x200xi32, #tpu.memory_space<vmem>> -> memref<1x1x200xi32, #tpu.memory_space<vmem>>
          %dma_wait3A_216 = tpu.memref_squeeze %dma_wait3A_215 : memref<1x1x200xi32, #tpu.memory_space<vmem>> -> memref<1x200xi32, #tpu.memory_space<vmem>>
          %dma_wait3A_217 = arith.constant 0 : i32
          %dma_wait3A_218 = tpu.memref_slice %arg2[%add3A_165, %dma_wait3A_217] : memref<4096x200xi32, #tpu.memory_space<hbm>> -> memref<1x200xi32, #tpu.memory_space<hbm>>
          tpu.wait_dma2 semaphore(%run_scoped3A_194 : memref<!tpu.dma_semaphore, #tpu.memory_space<semaphore_mem>>) src(%dma_wait3A_218 : memref<1x200xi32, #tpu.memory_space<hbm>>) dst(%dma_wait3A_216 : memref<1x200xi32, #tpu.memory_space<vmem>>)
          tpu.yield
        }) : () -> ()
        %dma_start3A_166 = arith.constant 0 : i32
        %dma_start3A_167 = arith.constant 0 : i32
        %dma_start3A_168 = arith.constant 0 : i32
        %dma_start3A_169 = arith.constant 0 : i32
        %dma_start3A_170 = tpu.memref_slice %arg8[%rem3A_97, %dma_start3A_167, %dma_start3A_168, %dma_start3A_169] : memref<3x1x200x128xf32, #tpu.memory_space<vmem>> -> memref<1x1x104x128xf32, #tpu.memory_space<vmem>>
        %dma_start3A_171 = tpu.memref_squeeze %dma_start3A_170 : memref<1x1x104x128xf32, #tpu.memory_space<vmem>> -> memref<104x128xf32, #tpu.memory_space<vmem>>
        %dma_start3A_172 = arith.constant 0 : i32
        %dma_start3A_173 = tpu.memref_slice %arg7[%rem3A_97, %dma_start3A_166, %dma_start3A_172] : memref<3x1x200xi32, #tpu.memory_space<vmem>> -> memref<1x1x104xi32, #tpu.memory_space<vmem>>
        %dma_start3A_174 = tpu.memref_squeeze %dma_start3A_173 : memref<1x1x104xi32, #tpu.memory_space<vmem>> -> memref<104xi32, #tpu.memory_space<vmem>>
        %dma_start3A_175 = arith.constant 0 : i32
        %dma_start3A_176 = arith.constant 0 : i32
        %dma_start3A_177 = tpu.memref_slice %arg3[%dma_start3A_175, %dma_start3A_176] : memref<1000000x128xf32, #tpu.memory_space<hbm>> -> memref<1000000x128xf32, #tpu.memory_space<hbm>>
        %dma_start3A_178 = tpu.memref_slice %arg9[%rem3A_97] : memref<3x!tpu.dma_semaphore, #tpu.memory_space<semaphore_mem>> -> memref<1x!tpu.dma_semaphore, #tpu.memory_space<semaphore_mem>>
        %dma_start3A_179 = tpu.memref_squeeze %dma_start3A_178 : memref<1x!tpu.dma_semaphore, #tpu.memory_space<semaphore_mem>> -> memref<!tpu.dma_semaphore, #tpu.memory_space<semaphore_mem>>
        tpu.enqueue_indirect_dma source(%dma_start3A_177 : memref<1000000x128xf32, #tpu.memory_space<hbm>>) target(%dma_start3A_171 : memref<104x128xf32, #tpu.memory_space<vmem>>) offsets(%dma_start3A_174 : memref<104xi32, #tpu.memory_space<vmem>>) semaphore(%dma_start3A_179 : memref<!tpu.dma_semaphore, #tpu.memory_space<semaphore_mem>>) {add = true}
        %dma_start3A_180 = arith.constant 0 : i32
        %dma_start3A_181 = arith.constant 0 : i32
        %dma_start3A_182 = arith.constant 104 : i32
        %dma_start3A_183 = arith.constant 0 : i32
        %dma_start3A_184 = tpu.memref_slice %arg8[%rem3A_97, %dma_start3A_181, %dma_start3A_182, %dma_start3A_183] : memref<3x1x200x128xf32, #tpu.memory_space<vmem>> -> memref<1x1x96x128xf32, #tpu.memory_space<vmem>>
        %dma_start3A_185 = tpu.memref_squeeze %dma_start3A_184 : memref<1x1x96x128xf32, #tpu.memory_space<vmem>> -> memref<96x128xf32, #tpu.memory_space<vmem>>
        %dma_start3A_186 = arith.constant 104 : i32
        %dma_start3A_187 = tpu.memref_slice %arg7[%rem3A_97, %dma_start3A_180, %dma_start3A_186] : memref<3x1x200xi32, #tpu.memory_space<vmem>> -> memref<1x1x96xi32, #tpu.memory_space<vmem>>
        %dma_start3A_188 = tpu.memref_squeeze %dma_start3A_187 : memref<1x1x96xi32, #tpu.memory_space<vmem>> -> memref<96xi32, #tpu.memory_space<vmem>>
        %dma_start3A_189 = arith.constant 0 : i32
        %dma_start3A_190 = arith.constant 0 : i32
        %dma_start3A_191 = tpu.memref_slice %arg3[%dma_start3A_189, %dma_start3A_190] : memref<1000000x128xf32, #tpu.memory_space<hbm>> -> memref<1000000x128xf32, #tpu.memory_space<hbm>>
        %dma_start3A_192 = tpu.memref_slice %arg9[%rem3A_97] : memref<3x!tpu.dma_semaphore, #tpu.memory_space<semaphore_mem>> -> memref<1x!tpu.dma_semaphore, #tpu.memory_space<semaphore_mem>>
        %dma_start3A_193 = tpu.memref_squeeze %dma_start3A_192 : memref<1x!tpu.dma_semaphore, #tpu.memory_space<semaphore_mem>> -> memref<!tpu.dma_semaphore, #tpu.memory_space<semaphore_mem>>
        tpu.enqueue_indirect_dma source(%dma_start3A_191 : memref<1000000x128xf32, #tpu.memory_space<hbm>>) target(%dma_start3A_185 : memref<96x128xf32, #tpu.memory_space<vmem>>) offsets(%dma_start3A_188 : memref<96xi32, #tpu.memory_space<vmem>>) semaphore(%dma_start3A_193 : memref<!tpu.dma_semaphore, #tpu.memory_space<semaphore_mem>>) {add = true}
      } else {
      }
      %dma_wait3A_106 = arith.constant 0 : i32
      %dma_wait3A_107 = arith.constant 0 : i32
      %dma_wait3A_108 = arith.constant 0 : i32
      %dma_wait3A_109 = arith.constant 0 : i32
      %dma_wait3A_110 = tpu.memref_slice %arg8[%rem3A_93, %dma_wait3A_107, %dma_wait3A_108, %dma_wait3A_109] : memref<3x1x200x128xf32, #tpu.memory_space<vmem>> -> memref<1x1x104x128xf32, #tpu.memory_space<vmem>>
      %dma_wait3A_111 = tpu.memref_squeeze %dma_wait3A_110 : memref<1x1x104x128xf32, #tpu.memory_space<vmem>> -> memref<104x128xf32, #tpu.memory_space<vmem>>
      %dma_wait3A_112 = arith.constant 0 : i32
      %dma_wait3A_113 = tpu.memref_slice %arg7[%rem3A_93, %dma_wait3A_106, %dma_wait3A_112] : memref<3x1x200xi32, #tpu.memory_space<vmem>> -> memref<1x1x104xi32, #tpu.memory_space<vmem>>
      %dma_wait3A_114 = tpu.memref_squeeze %dma_wait3A_113 : memref<1x1x104xi32, #tpu.memory_space<vmem>> -> memref<104xi32, #tpu.memory_space<vmem>>
      %dma_wait3A_115 = arith.constant 0 : i32
      %dma_wait3A_116 = arith.constant 0 : i32
      %dma_wait3A_117 = tpu.memref_slice %arg3[%dma_wait3A_115, %dma_wait3A_116] : memref<1000000x128xf32, #tpu.memory_space<hbm>> -> memref<1000000x128xf32, #tpu.memory_space<hbm>>
      %dma_wait3A_118 = tpu.memref_slice %arg9[%rem3A_93] : memref<3x!tpu.dma_semaphore, #tpu.memory_space<semaphore_mem>> -> memref<1x!tpu.dma_semaphore, #tpu.memory_space<semaphore_mem>>
      %dma_wait3A_119 = tpu.memref_squeeze %dma_wait3A_118 : memref<1x!tpu.dma_semaphore, #tpu.memory_space<semaphore_mem>> -> memref<!tpu.dma_semaphore, #tpu.memory_space<semaphore_mem>>
      tpu.wait_indirect_dma semaphore(%dma_wait3A_119 : memref<!tpu.dma_semaphore, #tpu.memory_space<semaphore_mem>>) src(%dma_wait3A_117 : memref<1000000x128xf32, #tpu.memory_space<hbm>>) dst(%dma_wait3A_111 : memref<104x128xf32, #tpu.memory_space<vmem>>)
      %dma_wait3A_120 = arith.constant 0 : i32
      %dma_wait3A_121 = arith.constant 0 : i32
      %dma_wait3A_122 = arith.constant 104 : i32
      %dma_wait3A_123 = arith.constant 0 : i32
      %dma_wait3A_124 = tpu.memref_slice %arg8[%rem3A_93, %dma_wait3A_121, %dma_wait3A_122, %dma_wait3A_123] : memref<3x1x200x128xf32, #tpu.memory_space<vmem>> -> memref<1x1x96x128xf32, #tpu.memory_space<vmem>>
      %dma_wait3A_125 = tpu.memref_squeeze %dma_wait3A_124 : memref<1x1x96x128xf32, #tpu.memory_space<vmem>> -> memref<96x128xf32, #tpu.memory_space<vmem>>
      %dma_wait3A_126 = arith.constant 104 : i32
      %dma_wait3A_127 = tpu.memref_slice %arg7[%rem3A_93, %dma_wait3A_120, %dma_wait3A_126] : memref<3x1x200xi32, #tpu.memory_space<vmem>> -> memref<1x1x96xi32, #tpu.memory_space<vmem>>
      %dma_wait3A_128 = tpu.memref_squeeze %dma_wait3A_127 : memref<1x1x96xi32, #tpu.memory_space<vmem>> -> memref<96xi32, #tpu.memory_space<vmem>>
      %dma_wait3A_129 = arith.constant 0 : i32
      %dma_wait3A_130 = arith.constant 0 : i32
      %dma_wait3A_131 = tpu.memref_slice %arg3[%dma_wait3A_129, %dma_wait3A_130] : memref<1000000x128xf32, #tpu.memory_space<hbm>> -> memref<1000000x128xf32, #tpu.memory_space<hbm>>
      %dma_wait3A_132 = tpu.memref_slice %arg9[%rem3A_93] : memref<3x!tpu.dma_semaphore, #tpu.memory_space<semaphore_mem>> -> memref<1x!tpu.dma_semaphore, #tpu.memory_space<semaphore_mem>>
      %dma_wait3A_133 = tpu.memref_squeeze %dma_wait3A_132 : memref<1x!tpu.dma_semaphore, #tpu.memory_space<semaphore_mem>> -> memref<!tpu.dma_semaphore, #tpu.memory_space<semaphore_mem>>
      tpu.wait_indirect_dma semaphore(%dma_wait3A_133 : memref<!tpu.dma_semaphore, #tpu.memory_space<semaphore_mem>>) src(%dma_wait3A_131 : memref<1000000x128xf32, #tpu.memory_space<hbm>>) dst(%dma_wait3A_125 : memref<96x128xf32, #tpu.memory_space<vmem>>)
      %mul3A_134 = arith.constant 1 : i32
      %mul3A_135 = arith.muli %scan3A_92, %mul3A_134 : i32
      %add3A_136 = arith.addi %mul3A_2, %mul3A_135 : i32
      %dma_start3A_137 = arith.constant 0 : i32
      %dma_start3A_138 = arith.constant 0 : i32
      %dma_start3A_139 = arith.constant 0 : i32
      %dma_start3A_140 = tpu.memref_slice %arg8[%rem3A_93, %dma_start3A_137, %dma_start3A_138, %dma_start3A_139] : memref<3x1x200x128xf32, #tpu.memory_space<vmem>> -> memref<1x1x200x64xf32, #tpu.memory_space<vmem>>
      %dma_start3A_141 = tpu.memref_squeeze %dma_start3A_140 : memref<1x1x200x64xf32, #tpu.memory_space<vmem>> -> memref<1x200x64xf32, #tpu.memory_space<vmem>>
      %dma_start3A_142 = arith.constant 0 : i32
      %dma_start3A_143 = arith.constant 0 : i32
      %dma_start3A_144 = tpu.memref_slice %arg5[%add3A_136, %dma_start3A_142, %dma_start3A_143] : memref<4096x200x128xf32, #tpu.memory_space<hbm>> -> memref<1x200x64xf32, #tpu.memory_space<hbm>>
      %dma_start3A_145 = tpu.memref_slice %arg10[%rem3A_93] : memref<3x!tpu.dma_semaphore, #tpu.memory_space<semaphore_mem>> -> memref<1x!tpu.dma_semaphore, #tpu.memory_space<semaphore_mem>>
      %dma_start3A_146 = tpu.memref_squeeze %dma_start3A_145 : memref<1x!tpu.dma_semaphore, #tpu.memory_space<semaphore_mem>> -> memref<!tpu.dma_semaphore, #tpu.memory_space<semaphore_mem>>
      %dma_start3A_147 = arith.constant 0 : i32
      %dma_start3A_148 = arith.constant 0 : i32
      %dma_start3A_149 = tpu.memref_slice %arg5[%add3A_136, %dma_start3A_147, %dma_start3A_148] : memref<4096x200x128xf32, #tpu.memory_space<hbm>> -> memref<1x200x64xf32, #tpu.memory_space<hbm>>
      %dma_start3A_150 = arith.constant 0 : i32
      %dma_start3A_151 = arith.constant 0 : i32
      %dma_start3A_152 = arith.constant 0 : i32
      %dma_start3A_153 = tpu.memref_slice %arg8[%rem3A_93, %dma_start3A_150, %dma_start3A_151, %dma_start3A_152] : memref<3x1x200x128xf32, #tpu.memory_space<vmem>> -> memref<1x1x200x64xf32, #tpu.memory_space<vmem>>
      %dma_start3A_154 = tpu.memref_squeeze %dma_start3A_153 : memref<1x1x200x64xf32, #tpu.memory_space<vmem>> -> memref<1x200x64xf32, #tpu.memory_space<vmem>>
      tpu.enqueue_dma source(%dma_start3A_154 : memref<1x200x64xf32, #tpu.memory_space<vmem>>) target(%dma_start3A_149 : memref<1x200x64xf32, #tpu.memory_space<hbm>>) target_semaphore(%dma_start3A_146 : memref<!tpu.dma_semaphore, #tpu.memory_space<semaphore_mem>>)
    }
    %scan3A_48 = arith.constant 128 : i32
    %add3A_49 = arith.constant 126 : i32
    %add3A_50 = arith.addi %mul3A_2, %add3A_49 : i32
    %dma_wait3A = arith.constant 0 : i32
    %dma_wait3A_51 = arith.constant 0 : i32
    %dma_wait3A_52 = arith.constant 0 : i32
    %dma_wait3A_53 = arith.constant 0 : i32
    %dma_wait3A_54 = arith.constant 0 : i32
    %dma_wait3A_55 = tpu.memref_slice %arg8[%dma_wait3A, %dma_wait3A_52, %dma_wait3A_53, %dma_wait3A_54] : memref<3x1x200x128xf32, #tpu.memory_space<vmem>> -> memref<1x1x200x64xf32, #tpu.memory_space<vmem>>
    %dma_wait3A_56 = tpu.memref_squeeze %dma_wait3A_55 : memref<1x1x200x64xf32, #tpu.memory_space<vmem>> -> memref<1x200x64xf32, #tpu.memory_space<vmem>>
    %dma_wait3A_57 = arith.constant 0 : i32
    %dma_wait3A_58 = arith.constant 0 : i32
    %dma_wait3A_59 = tpu.memref_slice %arg5[%add3A_50, %dma_wait3A_57, %dma_wait3A_58] : memref<4096x200x128xf32, #tpu.memory_space<hbm>> -> memref<1x200x64xf32, #tpu.memory_space<hbm>>
    %dma_wait3A_60 = tpu.memref_slice %arg10[%dma_wait3A_51] : memref<3x!tpu.dma_semaphore, #tpu.memory_space<semaphore_mem>> -> memref<1x!tpu.dma_semaphore, #tpu.memory_space<semaphore_mem>>
    %dma_wait3A_61 = tpu.memref_squeeze %dma_wait3A_60 : memref<1x!tpu.dma_semaphore, #tpu.memory_space<semaphore_mem>> -> memref<!tpu.dma_semaphore, #tpu.memory_space<semaphore_mem>>
    %dma_wait3A_62 = arith.constant 0 : i32
    %dma_wait3A_63 = arith.constant 0 : i32
    %dma_wait3A_64 = tpu.memref_slice %arg5[%add3A_50, %dma_wait3A_62, %dma_wait3A_63] : memref<4096x200x128xf32, #tpu.memory_space<hbm>> -> memref<1x200x64xf32, #tpu.memory_space<hbm>>
    %dma_wait3A_65 = arith.constant 0 : i32
    %dma_wait3A_66 = arith.constant 0 : i32
    %dma_wait3A_67 = arith.constant 0 : i32
    %dma_wait3A_68 = tpu.memref_slice %arg8[%dma_wait3A, %dma_wait3A_65, %dma_wait3A_66, %dma_wait3A_67] : memref<3x1x200x128xf32, #tpu.memory_space<vmem>> -> memref<1x1x200x64xf32, #tpu.memory_space<vmem>>
    %dma_wait3A_69 = tpu.memref_squeeze %dma_wait3A_68 : memref<1x1x200x64xf32, #tpu.memory_space<vmem>> -> memref<1x200x64xf32, #tpu.memory_space<vmem>>
    tpu.wait_dma2 semaphore(%dma_wait3A_61 : memref<!tpu.dma_semaphore, #tpu.memory_space<semaphore_mem>>) src(%dma_wait3A_69 : memref<1x200x64xf32, #tpu.memory_space<vmem>>) dst(%dma_wait3A_64 : memref<1x200x64xf32, #tpu.memory_space<hbm>>)
    %add3A_70 = arith.constant 127 : i32
    %add3A_71 = arith.addi %mul3A_2, %add3A_70 : i32
    %dma_wait3A_72 = arith.constant 1 : i32
    %dma_wait3A_73 = arith.constant 1 : i32
    %dma_wait3A_74 = arith.constant 0 : i32
    %dma_wait3A_75 = arith.constant 0 : i32
    %dma_wait3A_76 = arith.constant 0 : i32
    %dma_wait3A_77 = tpu.memref_slice %arg8[%dma_wait3A_72, %dma_wait3A_74, %dma_wait3A_75, %dma_wait3A_76] : memref<3x1x200x128xf32, #tpu.memory_space<vmem>> -> memref<1x1x200x64xf32, #tpu.memory_space<vmem>>
    %dma_wait3A_78 = tpu.memref_squeeze %dma_wait3A_77 : memref<1x1x200x64xf32, #tpu.memory_space<vmem>> -> memref<1x200x64xf32, #tpu.memory_space<vmem>>
    %dma_wait3A_79 = arith.constant 0 : i32
    %dma_wait3A_80 = arith.constant 0 : i32
    %dma_wait3A_81 = tpu.memref_slice %arg5[%add3A_71, %dma_wait3A_79, %dma_wait3A_80] : memref<4096x200x128xf32, #tpu.memory_space<hbm>> -> memref<1x200x64xf32, #tpu.memory_space<hbm>>
    %dma_wait3A_82 = tpu.memref_slice %arg10[%dma_wait3A_73] : memref<3x!tpu.dma_semaphore, #tpu.memory_space<semaphore_mem>> -> memref<1x!tpu.dma_semaphore, #tpu.memory_space<semaphore_mem>>
    %dma_wait3A_83 = tpu.memref_squeeze %dma_wait3A_82 : memref<1x!tpu.dma_semaphore, #tpu.memory_space<semaphore_mem>> -> memref<!tpu.dma_semaphore, #tpu.memory_space<semaphore_mem>>
    %dma_wait3A_84 = arith.constant 0 : i32
    %dma_wait3A_85 = arith.constant 0 : i32
    %dma_wait3A_86 = tpu.memref_slice %arg5[%add3A_71, %dma_wait3A_84, %dma_wait3A_85] : memref<4096x200x128xf32, #tpu.memory_space<hbm>> -> memref<1x200x64xf32, #tpu.memory_space<hbm>>
    %dma_wait3A_87 = arith.constant 0 : i32
    %dma_wait3A_88 = arith.constant 0 : i32
    %dma_wait3A_89 = arith.constant 0 : i32
    %dma_wait3A_90 = tpu.memref_slice %arg8[%dma_wait3A_72, %dma_wait3A_87, %dma_wait3A_88, %dma_wait3A_89] : memref<3x1x200x128xf32, #tpu.memory_space<vmem>> -> memref<1x1x200x64xf32, #tpu.memory_space<vmem>>
    %dma_wait3A_91 = tpu.memref_squeeze %dma_wait3A_90 : memref<1x1x200x64xf32, #tpu.memory_space<vmem>> -> memref<1x200x64xf32, #tpu.memory_space<vmem>>
    tpu.wait_dma2 semaphore(%dma_wait3A_83 : memref<!tpu.dma_semaphore, #tpu.memory_space<semaphore_mem>>) src(%dma_wait3A_91 : memref<1x200x64xf32, #tpu.memory_space<vmem>>) dst(%dma_wait3A_86 : memref<1x200x64xf32, #tpu.memory_space<hbm>>)
    return
  }
}

</mosaic_0001>

<sc_bundles>
// kernel: kernel.3.cloned.1.call-start
scs
__scs_entry_jumppad:
0x0: {  	(pc) =	sbr.rel $0x88, $3  }
0x1: {  	(tag) =	ssettag $0x0;
	lr =	simm.s32 $0x1  }
0x2: {  	[smem:$0x3F9E] =	sst lr;
	_ =	strace $0xD0000000  }
0x3: {  	_ = 	snop  }
0x4: {  	_ = 	snop  }
0x5: {  	_ = 	snop  }
0x6: {  	_ = 	snop  }
0x7: {  	_ = 	snop  }
__scs_overlays_trampoline_lowered:
0x8: {  	[smem:$0x3FAD] =	sst s0  }
0x9: {  	[smem:$0x3FAE] =	sst s1  }
0xa: {  	[smem:$0x3FAF] =	sst s2  }
0xb: {  	[smem:$0x3FB0] =	sst s3  }
0xc: {  	[smem:$0x3FB1] =	sst s4  }
0xd: {  	[smem:$0x3FB2] =	sst s5  }
0xe: {  	[smem:$0x3FB3] =	sst s6  }
0xf: {  	[smem:$0x3FB4] =	sst s7  }
0x10: {  	[smem:$0x3FB5] =	sst s8  }
0x11: {  	[smem:$0x3FB6] =	sst s9;
	s0 =	simm.s32 @!p0 $0x0  }
0x12: {  	s1 =	sld [smem:$0x3F9C];
	s0 =	simm.s32 @p0 $0x1  }
0x13: {  	[smem:$0x3FB7] =	sst s0;
	s0 =	simm.s32 @!p1 $0x0  }
0x14: {  	s2 =	sld [smem:$0x3F9B];
	s0 =	simm.s32 @p1 $0x1  }
0x15: {  	[smem:$0x3FB8] =	sst s0;
	s0 =	simm.s32 @!p2 $0x0  }
0x16: {  	s3 =	sld [smem:$0x3FDB];
	s0 =	simm.s32 @p2 $0x1  }
0x17: {  	s4 =	simm.s32 $0x1BF5;
	[smem:$0x3FBA] =	sst s0  }
0x18: {  	s0 =	sld [smem:$0x3F9D];
	_ =	swait.ge [sflag:s4], $0x0  }
0x19: {  	s7 =	sld [smem:$0x3F9E]  }
0x1a: {  	s8 =	sadd.s32 $0xFFFFE003, lr  }
0x1b: {  	s9 =	sadd.s32 $0xFFFFFEF7, lr;
	s5 =	simm.s32 $0xFFFFFFFF;
	p2 =	slt.u32 s8, $0xFFFFF086  }
0x1c: {  	p1 =	slt.u32 s9, $0xF7A;
	s5 =	simm.s32 @!p2 $0x0  }
0x1d: {  	s5 =	simm.s32 @p1 $0x1;
	p0 =	seq.s32 s7, s2  }
0x1e: {  	s7 =	smul.u32 @!p0 $0xF7A, s2;
	p2 =	seq.s32 @!p0 s5, $0x0  }
0x1f: {  	s9 =	smul.u32 $0xF7A, s1;
	s8 =	simm.s32 @!p0 $0x1BF5;
	p2 =	por !p2, p0  }
0x20: {  	[sflag:s8] =	ssyncset.s32 @!p0 $0xFFFFF086;
	s6 =	sadd.s32 @!p0 s3, s7;
	s7 =	simm.s32 @!p0 $0x108  }
0x21: {  	s3 =	sadd.s32 s3, s9;
	s6 =	sadd.s32 @!p0 $0x88, s6;
	s7 =	simm.s32 @p2 $0x1082  }
0x22: {  	[simem:s7], [sflag:s8] =	dma.local @!p0 [hbm:s6], $0xF7A  }
0x23: {  	s9 =	sor.u32 $0xD0000000, s2;
	s6 =	simm.s32 $0x108;
	_ =	swait.ge @!p0 [sflag:s8], $0x0  }
0x24: {  	s3 =	sadd.s32 $0x88, s3;
	s6 =	simm.s32 @!p1 $0x1082;
	[sflag:s4] =	ssyncset.s32 $0xFFFFF086  }
0x25: {  	[simem:s6], [sflag:s4] =	dma.local [hbm:s3], $0xF7A  }
0x26: {  	[smem:$0x3F9E] =	sst s1;
	(tag) =	ssettag s2;
	_ =	strace s9  }
0x27: {  	s1 =	sld [smem:$0x3FAE]  }
0x28: {  	s2 =	sld [smem:$0x3FAF]  }
0x29: {  	s4 =	sld [smem:$0x3FB1]  }
0x2a: {  	p0 =	seq.s32 s5, $0x0;
	s5 =	sld [smem:$0x3FB2]  }
0x2b: {  	s6 =	sld [smem:$0x3FB3]  }
0x2c: {  	s7 =	sld [smem:$0x3FB4]  }
0x2d: {  	s3 =	simm.s32 $0x108;
	s8 =	sld [smem:$0x3FB5]  }
0x2e: {  	s3 =	simm.s32 @!p0 $0x1082;
	s9 =	sld [smem:$0x3FB6]  }
0x2f: {  	lr =	sadd.s32 s0, s3;
	s0 =	sld [smem:$0x3FAD]  }
0x30: {  	s3 =	sld [smem:$0x3FB0]  }
0x31: {  	[smem:$0x3FB9] =	sst s10  }
0x32: {  	s10 =	sld [smem:$0x3FB7];
	_ =	sdelay $0x3  }
0x33: {  	p0 =	seq.s32 s10, $0x1;
	s10 =	sld [smem:$0x3FB9];
	_ =	sdelay $0x3  }
0x34: {  	[smem:$0x3FB9] =	sst s10  }
0x35: {  	s10 =	sld [smem:$0x3FB8];
	_ =	sdelay $0x3  }
0x36: {  	p1 =	seq.s32 s10, $0x1;
	s10 =	sld [smem:$0x3FB9];
	_ =	sdelay $0x3  }
0x37: {  	[smem:$0x3FB9] =	sst s10  }
0x38: {  	s10 =	sld [smem:$0x3FBA]  }
0x39: {  	_ = 	snop;
	(pc) =	sbr.ind lr, $3  }
0x3a: {  	_ = 	snop  }
0x3b: {  	_ = 	snop  }
0x3c: {  	p2 =	seq.s32 s10, $0x1;
	s10 =	sld [smem:$0x3FB9]  }
0x3d: {  	_ =	shalt  }
0x3e: {  	_ =	shalt  }
0x3f: {  	_ =	shalt  }
0x40: {  	_ =	shalt  }
0x41: {  	_ =	shalt  }
0x42: {  	_ =	shalt  }
0x43: {  	_ =	shalt  }
0x44: {  	_ =	shalt  }
0x45: {  	_ =	shalt  }
0x46: {  	_ =	shalt  }
0x47: {  	_ =	shalt  }
0x48: {  	_ =	shalt  }
0x49: {  	_ =	shalt  }
0x4a: {  	_ =	shalt  }
0x4b: {  	_ =	shalt  }
0x4c: {  	_ =	shalt  }
0x4d: {  	_ =	shalt  }
0x4e: {  	_ =	shalt  }
0x4f: {  	_ =	shalt  }
0x50: {  	_ =	shalt  }
0x51: {  	_ =	shalt  }
0x52: {  	_ =	shalt  }
0x53: {  	_ =	shalt  }
0x54: {  	_ =	shalt  }
0x55: {  	_ =	shalt  }
0x56: {  	_ =	shalt  }
0x57: {  	_ =	shalt  }
0x58: {  	_ =	shalt  }
0x59: {  	_ =	shalt  }
0x5a: {  	_ =	shalt  }
0x5b: {  	_ =	shalt  }
0x5c: {  	_ =	shalt  }
0x5d: {  	_ =	shalt  }
0x5e: {  	_ =	shalt  }
0x5f: {  	_ =	shalt  }
0x60: {  	_ =	shalt  }
0x61: {  	_ =	shalt  }
0x62: {  	_ =	shalt  }
0x63: {  	_ =	shalt  }
0x64: {  	_ =	shalt  }
0x65: {  	_ =	shalt  }
0x66: {  	_ =	shalt  }
0x67: {  	_ =	shalt  }
0x68: {  	_ =	shalt  }
0x69: {  	_ =	shalt  }
0x6a: {  	_ =	shalt  }
0x6b: {  	_ =	shalt  }
0x6c: {  	_ =	shalt  }
0x6d: {  	_ =	shalt  }
0x6e: {  	_ =	shalt  }
0x6f: {  	_ =	shalt  }
0x70: {  	_ =	shalt  }
0x71: {  	_ =	shalt  }
0x72: {  	_ =	shalt  }
0x73: {  	_ =	shalt  }
0x74: {  	_ =	shalt  }
0x75: {  	_ =	shalt  }
0x76: {  	_ =	shalt  }
0x77: {  	_ =	shalt  }
0x78: {  	_ =	shalt  }
0x79: {  	_ =	shalt  }
0x7a: {  	_ =	shalt  }
0x7b: {  	_ =	shalt  }
0x7c: {  	_ =	shalt  }
0x7d: {  	_ =	shalt  }
0x7e: {  	_ =	shalt  }
0x7f: {  	_ =	shalt  }
0x80: {  	_ =	shalt  }
0x81: {  	_ =	shalt  }
0x82: {  	_ =	shalt  }
0x83: {  	_ =	shalt  }
0x84: {  	_ =	shalt  }
0x85: {  	_ =	shalt  }
0x86: {  	_ =	shalt  }
0x87: {  	_ =	shalt  }
.Lfunc_end0:
.L_simem_size_0:
called_computation.1_lowered:
.L_overlay_start_0:
0x88: {  	s2 =	sld [smem:$0x3FD9]  }
0x89: {  	s3 =	sld [smem:$0x3FFE];
	_ =	sdelay $0x1  }
0x8a: {  	s1 =	srdreg.scid  }
0x8b: {  	s0 =	sand.u32 $0x1, s1  }
0x8c: {  	s17 =	sshll.u32 s0, $0xA;
	s2 =	sadd.s32 s3, s2  }
0x8d: {  	s2 =	sadd.s32 s2, s17  }
0x8e: {  	[smem:$0x3FC5] =	sst s2  }
0x8f: {  	_ = 	snop  }
0x90: {  	s2 =	sld [smem:$0x3FD0];
	(tm) =	ssettm $0x1  }
0x91: {  	s18 =	sld [smem:$0x3FFB];
	_ =	sdelay $0x3  }
0x92: {  	_ =	strace s18  }
0x93: {  	s3 =	sld [smem:$0x3FFC];
	_ =	sdelay $0x3  }
0x94: {  	_ =	strace s3  }
0x95: {  	s3 =	sld [smem:$0x3FFD];
	_ =	sdelay $0x3  }
0x96: {  	_ =	strace s3  }
0x97: {  	_ =	strace $0x8FFFFFFF  }
0x98: {  	s19 =	sld [smem:$0x3FDB];
	_ =	sdelay $0x1  }
0x99: {  	s4 =	simm.s32 $_scs_section_size  }
0x9a: {  	s5 =	simm.s32 $_size__tile_overlayer_lowered;
	s6 =	simm.s32 $_tile_overlayer_lowered  }
0x9b: {  	s22 =	simm.s32 $0x1BFF;
	s21 =	sshll.u32 s6, $0x1;
	s3 =	sadd.s32 s4, s19  }
0x9c: {  	s7 =	simm.s32 $0x0;
	s20 =	sshll.u32 s5, $0x1;
	s5 =	sadd.s32 s21, s3  }
0x9d: {  	[timem:s7], [sflag:s22] =	dma.local [hbm:s5], s20  }
0x9e: {  	_ =	swait.ge [sflag:s22], s20  }
0x9f: {  	s4 =	ssub.s32 $0x0, s20;
	[sflag:s22] =	ssyncset.done $0x0  }
0xa0: {  	[sflag:s22] =	ssyncadd.s32 s4;
	_ =	sdelay $0x1  }
0xa1: {  	s23 =	simm.s32 $0x1B8B  }
0xa2: {  	_ =	swait.ge [sflag:s23], $0x1  }
0xa3: {  	[sflag:s23] =	ssyncset.done $0x0  }
0xa4: {  	s25 =	simm.s32 $0x1B8E;
	s24 =	sld [smem:$0x3FFE];
	[sflag:s23] =	ssyncadd.s32 $0xFFFFFFFF  }
0xa5: {  	s26 =	simm.s32 $execute0_lowered;
	[smem:$0x3FD2] =	sst s25  }
0xa6: {  	s5 =	sshll.u32 s26, $0x1;
	_ =	strace $0x80000046;
	[dreg:$0x1] =	wrdreg $0xFFFFFFFF  }
0xa7: {  	s28 =	simm.s32 $_size_execute0_lowered;
	s3 =	sadd.s32 s3, s5;
	[dreg:$0x0] =	wrdreg $0x0  }
0xa8: {  	s5 =	sshll.u32 s28, $0x1;
	[dreg:$0x2] =	wrdreg s3  }
0xa9: {  	[dreg:$0x3] =	wrdreg s5  }
0xaa: {  	[dreg:$0x4] =	wrdreg $0xC0  }
0xab: {  	_ =	task [dreg:s7], $0x5FFFF  }
0xac: {  	[dreg:$0x1] =	wrdreg $0xFFFFFFFF  }
0xad: {  	[dreg:$0x0] =	wrdreg $0x60  }
0xae: {  	[dreg:$0x2] =	wrdreg s2  }
0xaf: {  	[dreg:$0x3] =	wrdreg s24  }
0xb0: {  	[dreg:$0x4] =	wrdreg $0x9  }
0xb1: {  	_ =	task.clear_ibuf [dreg:s7], $0x5FFFF;
	_ =	strace $0x90000046  }
0xb2: {  	s29 =	simm.s32 $0x9;
	_ =	strace $0x80000048  }
0xb3: {  	_ =	swait.ge [sflag:s29], $0x1  }
0xb4: {  	[sflag:s29] =	ssyncadd.s32 $0xFFFFFFFF  }
0xb5: {  	_ =	strace $0x90000048  }
0xb6: {  	_ =	sfence  }
0xb7: {  	s30 =	sld [smem:$0x0];
	_ =	sdelay $0x2  }
0xb8: {  	s31 =	sshll.u32 s1, $0xD;
	s1 =	sshrl.u32 s1, $0x2  }
0xb9: {  	s3 =	sand.u32 $0x4000, s31;
	s1 =	sadd.s32 s1, s30  }
0xba: {  	s0 =	sor.u32 s3, s0;
	s1 =	sshll.u32 s1, $0x11  }
0xbb: {  	s0 =	sor.u32 s1, s0  }
0xbc: {  	s0 =	sadd.s32 $0x8F2B, s0  }
0xbd: {  	[sflag:s0] =	ssyncadd.remote.s32 $0x1  }
0xbe: {  	_ =	sfence.sel $0xFFFF  }
0xbf: {  	[dreg:$0x0] =	wrdreg $0xFFFFFFFF;
	(pc) =	sbr.abs _section_cstart, $3  }
0xc0: {  	[dreg:$0x1] =	wrdreg $0xFFFFFFFF  }
0xc1: {  	_ =	task.clear_ibuf [dreg:s7], $0x2FFFF;
	_ =	strace $0x9FFFFFFF  }
0xc2: {  	(tm) =	ssettm $0x7FFFFFFF  }
0xc3: {  	_ =	shalt  }
tec
execute0_lowered:
.L_overlay_start_1:
0x0: {  	(tag) =	ssettag $0x1  }
0x1: {  	s2 =	rddreg [dreg:$0x0]  }
0x2: {  	s7 =	rddreg [dreg:$0x1];
	s3 =	srdreg.scid  }
0x3: {  	s0 =	rddreg [dreg:$0x2];
	s1 =	stileid.u32;
	s11 =	simm.s32 $0x3200  }
0x4: {  	s12 =	simm.s32 $0x68;
	s13 =	simm.s32 $0x60;
	s14 =	simm.s32 $0x3268  }
0x5: {  	s15 =	simm.s32 $0x6858;
	s16 =	simm.s32 $0x4;
	s17 =	simm.s32 $0x5  }
0x6: {  	s18 =	simm.s32 $0x0;
	s4 =	sand.u32 $0x1, s3;
	s3 =	simm.s32 $0x0  }
0x7: {  	s5 =	sshll.u32 s1, $0x8;
	s6 =	sshll.u32 s4, $0x7;
	[smem:$0x7FF] =	sst s3  }
0x8: {  	s8 =	ssub.s32 $0x2, s4;
	s4 =	sor.u32 s6, s5;
	_ =	strace $0x80000047  }
0x9: {  	s9 =	sshrl.u32 s8, $0x1;
	s5 =	sadd.s32 $0xF43800, s7;
	s10 =	smul.u32 $0x19, s4  }
0xa: {  	s6 =	sadd.s32 $0xF43000, s7;
	s7 =	sadd.s32 $0xC00, s7;
	s9 =	ssub.s32 s8, s9  }
0xb: {  	s9 =	smax.u32 s9, $0x1;
	s8 =	sadd.s32 s2, s10;
	s10 =	simm.s32 $0x7  }
.LBB2_1:
0xc: {  	[tilespmem:s3], [sflag:$0x7] =	stream.linear.gather [hbm4b:s6+s3], $0x3200, $0x38;
	[tilespmem:$0x16058] =	vst v63  }
0xd: {  	_ =	swait.ge [sflag:s10], $0x3200  }
0xe: {  	[sflag:s10] =	ssyncset.done $0x0  }
0xf: {  	s20 =	simm.s32 $0x40;
	[sflag:s10] =	ssyncadd.s32 $0xFFFFCE00  }
0x10: {  	v0 =	vld [tilespmem:s20+$0xFFFFFFC0];
	_ =	sdelay $0x3  }
0x11: {  	s19 =	simm.s32 $0x34D8  }
0x12: {  	[tilespmem:s19+$0xFFFFFF80] =	vst v0  }
0x13: {  	v0 =	vld [tilespmem:s20+$0xFFFFFFD0];
	_ =	sdelay $0x4  }
0x14: {  	[tilespmem:s19+$0xFFFFFF90] =	vst v0  }
0x15: {  	v0 =	vld [tilespmem:s20+$0xFFFFFFE0];
	_ =	sdelay $0x4  }
0x16: {  	[tilespmem:s19+$0xFFFFFFA0] =	vst v0  }
0x17: {  	v0 =	vld [tilespmem:s20+$0xFFFFFFF0];
	_ =	sdelay $0x4  }
0x18: {  	[tilespmem:s19+$0xFFFFFFB0] =	vst v0  }
0x19: {  	v0 =	vld [tilespmem:s20+$0x0];
	_ =	sdelay $0x4  }
0x1a: {  	[tilespmem:s19+$0x0] =	vst v0  }
0x1b: {  	v0 =	vld [tilespmem:s20+$0x10];
	_ =	sdelay $0x4  }
0x1c: {  	[tilespmem:s19+$0x10] =	vst v0  }
0x1d: {  	v0 =	vld [tilespmem:s20+$0x20];
	_ =	sdelay $0x4  }
0x1e: {  	[tilespmem:s19+$0x20] =	vst v0  }
0x1f: {  	v0 =	vld [tilespmem:s20+$0x30];
	_ =	sdelay $0x4  }
0x20: {  	s21 =	simm.s32 $0xC0;
	s20 =	simm.s32 $0x0;
	[tilespmem:s19+$0x30] =	vst v0  }
.LBB2_2:
0x21: {  	v0 =	vld [tilespmem:s21+$0xFFFFFFC0];
	s20 =	sadd.s32 $0x2, s20  }
0x22: {  	p0 =	slt.u32 s20, $0xC6;
	_ =	sdelay $0x2  }
0x23: {  	s19 =	sadd.s32 $0x100, s19  }
0x24: {  	[tilespmem:s19+$0xFFFFFF80] =	vst v0  }
0x25: {  	v0 =	vld [tilespmem:s21+$0xFFFFFFD0];
	_ =	sdelay $0x4  }
0x26: {  	[tilespmem:s19+$0xFFFFFF90] =	vst v0  }
0x27: {  	v0 =	vld [tilespmem:s21+$0xFFFFFFE0];
	_ =	sdelay $0x4  }
0x28: {  	[tilespmem:s19+$0xFFFFFFA0] =	vst v0  }
0x29: {  	v0 =	vld [tilespmem:s21+$0xFFFFFFF0];
	_ =	sdelay $0x4  }
0x2a: {  	[tilespmem:s19+$0xFFFFFFB0] =	vst v0  }
0x2b: {  	v0 =	vld [tilespmem:s21+$0x0];
	_ =	sdelay $0x4  }
0x2c: {  	[tilespmem:s19+$0x0] =	vst v0  }
0x2d: {  	v0 =	vld [tilespmem:s21+$0x10];
	_ =	sdelay $0x4  }
0x2e: {  	[tilespmem:s19+$0x10] =	vst v0  }
0x2f: {  	v0 =	vld [tilespmem:s21+$0x20];
	_ =	sdelay $0x4  }
0x30: {  	[tilespmem:s19+$0x20] =	vst v0  }
0x31: {  	v0 =	vld [tilespmem:s21+$0x30]  }
.Ltmp0:
0x32: {  	(pc) =	sbr.rel @p0 .LBB2_2-.Ltmp0, $2  }
0x33: {  	_ =	sdelay $0x2  }
0x34: {  	s21 =	sadd.s32 $0x80, s21;
	[tilespmem:s19+$0x30] =	vst v0  }
0x35: {  	s23 =	simm.s32 $0x0  }
0x36: {  	[tilespmem:s11], [sflag:$0x7] =	stream.linear.gather [hbm4b:s8+s23], $0xC8, $0x38;
	[tilespmem:$0x16058] =	vst v63  }
0x37: {  	_ =	swait.ge [sflag:s10], $0xC8  }
0x38: {  	[sflag:s10] =	ssyncset.done $0x0  }
0x39: {  	s19 =	simm.s32 $0x3458;
	[sflag:s10] =	ssyncadd.s32 $0xFFFFFF38  }
0x3a: {  	[tilespmem:s19], [sflag:$0x1] =	stream.indirect.gather.add.f32 [hbm:s5], $0x80, s11, s12, $0xb8;
	[tilespmem:$0x16058] =	vst v63  }
0x3b: {  	s20 =	simm.s32 $0x1;
	s21 =	simm.s32 $0x9908  }
0x3c: {  	[tilespmem:s15], [sflag:$0x1] =	stream.indirect.gather.add.f32 [hbm:s5], $0x80, s14, s13, $0xb8;
	[tilespmem:$0x16058] =	vst v63  }
.LBB2_5:
0x3d: {  	s24 =	smul.u32 $0xAB, s23;
	_ =	sdelay $0x1  }
0x3e: {  	s22 =	sadd.s32 $0xAB, s24  }
0x3f: {  	s22 =	sshrl.u32 s22, $0x9  }
0x40: {  	s22 =	sand.u32 $0x7F, s22  }
0x41: {  	p0 =	slt.u32 s23, $0x2;
	s25 =	smul.u32 $0x3, s22  }
0x42: {  	p1 =	seq.s32 @!p0 s23, $0x7F;
	s22 =	sadd.s32 $0x1, s23  }
0x43: {  	p1 =	por p0, !p1;
	s25 =	ssub.s32 s22, s25  }
.Ltmp1:
0x44: {  	s25 =	sand.u32 $0xFF, s25;
	(pc) =	sbr.rel @!p1 .LBB2_9-.Ltmp1, $4  }
0x45: {  	s26 =	sadd.s32 @!p0 $0x4, s25  }
0x46: {  	_ =	swait.ge @!p0 [sflag:s26], $0x3200  }
0x47: {  	[sflag:s26] =	ssyncset.done @!p0 $0x0  }
0x48: {  	[sflag:s26] =	ssyncadd.s32 @!p0 $0xFFFFCE00  }
0x49: {  	s26 =	smulhi.u32 $0xAAAAAAAB, s20;
	_ =	sdelay $0x1  }
0x4a: {  	s26 =	sshrl.u32 s26, $0x1  }
0x4b: {  	s28 =	smul.u32 $0xFFFB5000, s26;
	_ =	sdelay $0x1  }
0x4c: {  	s26 =	simm.s32 $0x40;
	s28 =	sshra.s32 s28, $0x2  }
0x4d: {  	v1 =	vld [tilespmem:s26+$0xFFFFFFC0];
	v0 =	vmov s28;
	_ =	sdelay $0x4  }
0x4e: {  	[tilespmem:v0+s21+$0xFFFFFF50 ss:$0x1] =	vst.idx.msk $0xffff, v1  }
0x4f: {  	v1 =	vld [tilespmem:s26+$0xFFFFFFD0];
	_ =	sdelay $0x4  }
0x50: {  	[tilespmem:v0+s21+$0xFFFFFF60 ss:$0x1] =	vst.idx.msk $0xffff, v1  }
0x51: {  	v1 =	vld [tilespmem:s26+$0xFFFFFFE0];
	_ =	sdelay $0x4  }
0x52: {  	[tilespmem:v0+s21+$0xFFFFFF70 ss:$0x1] =	vst.idx.msk $0xffff, v1  }
0x53: {  	v1 =	vld [tilespmem:s26+$0xFFFFFFF0];
	_ =	sdelay $0x4  }
0x54: {  	[tilespmem:v0+s21+$0xFFFFFF80 ss:$0x1] =	vst.idx.msk $0xffff, v1  }
0x55: {  	v1 =	vld [tilespmem:s26+$0x0];
	_ =	sdelay $0x4  }
0x56: {  	[tilespmem:v0+s21+$0xFFFFFFD0 ss:$0x1] =	vst.idx.msk $0xffff, v1  }
0x57: {  	v1 =	vld [tilespmem:s26+$0x10];
	_ =	sdelay $0x4  }
0x58: {  	[tilespmem:v0+s21+$0xFFFFFFE0 ss:$0x1] =	vst.idx.msk $0xffff, v1  }
0x59: {  	v1 =	vld [tilespmem:s26+$0x20];
	_ =	sdelay $0x2  }
0x5a: {  	s28 =	smul.u32 $0x19000, s25;
	_ =	sdelay $0x1  }
0x5b: {  	s28 =	sshrl.u32 s28, $0x2;
	[tilespmem:v0+s21+$0xFFFFFFF0 ss:$0x1] =	vst.idx.msk $0xffff, v1  }
0x5c: {  	s31 =	simm.s32 $0x0;
	s30 =	smov.u32 s21;
	s29 =	sadd.s32 $0x3458, s28;
	v1 =	vld [tilespmem:s26+$0x30]  }
.LBB2_7:
0x5d: {  	_ =	sdelay $0x3  }
0x5e: {  	s31 =	sadd.s32 $0x2, s31;
	s26 =	sadd.s32 $0x80, s26;
	[tilespmem:v0+s30+$0x0 ss:$0x1] =	vst.idx.msk $0xffff, v1;
	s30 =	sadd.s32 $0x100, s30  }
0x5f: {  	p0 =	slt.u32 s31, $0xC6;
	v1 =	vld [tilespmem:s26+$0xFFFFFFC0];
	_ =	sdelay $0x4  }
0x60: {  	[tilespmem:v0+s30+$0xFFFFFF50 ss:$0x1] =	vst.idx.msk $0xffff, v1  }
0x61: {  	v1 =	vld [tilespmem:s26+$0xFFFFFFD0];
	_ =	sdelay $0x4  }
0x62: {  	[tilespmem:v0+s30+$0xFFFFFF60 ss:$0x1] =	vst.idx.msk $0xffff, v1  }
0x63: {  	v1 =	vld [tilespmem:s26+$0xFFFFFFE0];
	_ =	sdelay $0x4  }
0x64: {  	[tilespmem:v0+s30+$0xFFFFFF70 ss:$0x1] =	vst.idx.msk $0xffff, v1  }
0x65: {  	v1 =	vld [tilespmem:s26+$0xFFFFFFF0];
	_ =	sdelay $0x4  }
0x66: {  	[tilespmem:v0+s30+$0xFFFFFF80 ss:$0x1] =	vst.idx.msk $0xffff, v1  }
0x67: {  	v1 =	vld [tilespmem:s26+$0x0];
	_ =	sdelay $0x4  }
0x68: {  	[tilespmem:v0+s30+$0xFFFFFFD0 ss:$0x1] =	vst.idx.msk $0xffff, v1  }
0x69: {  	v1 =	vld [tilespmem:s26+$0x10];
	_ =	sdelay $0x4  }
0x6a: {  	[tilespmem:v0+s30+$0xFFFFFFE0 ss:$0x1] =	vst.idx.msk $0xffff, v1  }
0x6b: {  	v1 =	vld [tilespmem:s26+$0x20];
	_ =	sdelay $0x1  }
.Ltmp2:
0x6c: {  	(pc) =	sbr.rel @p0 .LBB2_7-.Ltmp2, $3  }
0x6d: {  	_ =	sdelay $0x1  }
0x6e: {  	[tilespmem:v0+s30+$0xFFFFFFF0 ss:$0x1] =	vst.idx.msk $0xffff, v1  }
0x6f: {  	v1 =	vld [tilespmem:s26+$0x30]  }
0x70: {  	_ = 	snop  }
0x71: {  	s26 =	sadd.s32 s4, s22;
	s31 =	smul.u32 $0x320, s25  }
0x72: {  	s26 =	smul.u32 $0x19, s26  }
0x73: {  	s31 =	sshrl.u32 s31, $0x2  }
0x74: {  	s26 =	sadd.s32 s2, s26;
	[tilespmem:v0+s30+$0x0 ss:$0x1] =	vst.idx.msk $0xffff, v1;
	s30 =	sadd.s32 $0x3200, s31  }
0x75: {  	[tilespmem:s30], [sflag:$0x7] =	stream.linear.gather [hbm4b:s26+s3], $0xC8, $0x38;
	[tilespmem:$0x16058] =	vst v63  }
0x76: {  	_ =	swait.ge [sflag:s10], $0xC8  }
0x77: {  	[sflag:s10] =	ssyncset.done $0x0  }
0x78: {  	s26 =	sadd.s32 $0x1, s25;
	[sflag:s10] =	ssyncadd.s32 $0xFFFFFF38  }
0x79: {  	[tilespmem:s29], [sflag:s26] =	stream.indirect.gather.add.f32 [hbm:s5], $0x80, s30, s12, $0xb8;
	[tilespmem:$0x16058] =	vst v63  }
0x7a: {  	s31 =	sadd.s32 $0x3268, s31;
	s30 =	sadd.s32 $0x6858, s28  }
0x7b: {  	[tilespmem:s30], [sflag:s26] =	stream.indirect.gather.add.f32 [hbm:s5], $0x80, s31, s13, $0xb8;
	[tilespmem:$0x16058] =	vst v63  }
.LBB2_9:
0x7c: {  	s24 =	sshrl.u32 s24, $0x9  }
0x7d: {  	s24 =	sand.u32 $0x7F, s24  }
0x7e: {  	s24 =	smul.u32 $0x3, s24;
	_ =	sdelay $0x1  }
0x7f: {  	s25 =	smulhi.u32 $0xAAAAAAAB, s23;
	s24 =	ssub.s32 s23, s24  }
0x80: {  	s24 =	sand.u32 $0xFF, s24  }
0x81: {  	s25 =	sshrl.u32 s25, $0x1;
	s26 =	sadd.s32 $0x1, s24  }
0x82: {  	s31 =	sadd.s32 s4, s23;
	s25 =	smul.u32 $0xFFFB5000, s25;
	_ =	swait.ge [sflag:s26], $0x3400  }
0x83: {  	s28 =	smul.u32 $0xC80, s31;
	[sflag:s26] =	ssyncset.done $0x0  }
0x84: {  	s25 =	sshra.s32 s25, $0x2;
	[sflag:s26] =	ssyncadd.s32 $0xFFFFCC00  }
0x85: {  	s23 =	sadd.s32 s25, s19;
	s25 =	sadd.s32 s7, s28;
	_ =	swait.ge [sflag:s26], $0x3000  }
0x86: {  	s24 =	sadd.s32 $0x4, s24;
	s29 =	sadd.s32 $0x0, s25;
	[sflag:s26] =	ssyncset.done $0x0  }
0x87: {  	s28 =	sadd.s32 $0x80, s23;
	[sflag:s26] =	ssyncadd.s32 $0xFFFFD000;
	s26 =	simm.s32 $0x10  }
.LBB2_10:
0x88: {  	[hbm4b:s29+s3] =	stream.linear.scatter [tilespmem:s23], [sflag:s24], $0x40, $0x38;
	[tilespmem:$0x16058] =	vst v63  }
0x89: {  	s29 =	smov.u32 s26;
	s23 =	smov.u32 s28;
	p0 =	seq.s32 s26, $0xC70  }
.Ltmp3:
0x8a: {  	s26 =	sadd.s32 $0x10, s26;
	(pc) =	sbr.rel @!p0 .LBB2_10-.Ltmp3, $2  }
0x8b: {  	_ =	sdelay $0x2  }
0x8c: {  	s28 =	sadd.s32 $0x80, s28;
	s29 =	sadd.s32 s29, s25  }
0x8d: {  	[hbm4b:s29+s3] =	stream.linear.scatter [tilespmem:s23], [sflag:s24], $0x40, $0x38;
	[tilespmem:$0x16058] =	vst v63  }
0x8e: {  	p0 =	seq.s32 s22, $0x80  }
.Ltmp4:
0x8f: {  	_ = 	snop;
	(pc) =	sbr.rel @!p0 .LBB2_5-.Ltmp4, $3  }
0x90: {  	_ =	sdelay $0x1  }
0x91: {  	s20 =	sadd.s32 $0x1, s20  }
0x92: {  	s21 =	sadd.s32 $0x6400, s21;
	s19 =	sadd.s32 $0x6400, s19;
	s23 =	smov.u32 s22  }
0x93: {  	s18 =	sadd.s32 $0x1, s18  }
0x94: {  	_ =	swait.ge [sflag:s16], $0x3200;
	p0 =	sne.s32 s18, s9  }
.Ltmp5:
0x95: {  	[sflag:s16] =	ssyncset.done $0x0;
	(pc) =	sbr.rel @p0 .LBB2_1-.Ltmp5, $4  }
0x96: {  	[sflag:s16] =	ssyncadd.s32 $0xFFFFCE00  }
0x97: {  	_ =	swait.ge [sflag:s17], $0x3200  }
0x98: {  	[sflag:s17] =	ssyncset.done $0x0  }
0x99: {  	[sflag:s17] =	ssyncadd.s32 $0xFFFFCE00  }
0x9a: {  	_ =	sfence.sel $0x180000  }
0x9b: {  	[bflag:$0x0] =	sbarrier.arrive $0xFFFF  }
0x9c: {  	p0 =	sne.s32 s1, $0x0;
	_ =	strace $0x90000047  }
0x9d: {  	s0 =	sadd.s32 @!p0 $0x100000, s0;
	[bflag:$0x2] =	sbarrier.arrive $0xFFFF  }
0x9e: {  	[sflag:s0] =	ssyncadd.tile.s32 @!p0 $0x1;
	_ =	shalt  }
.Lfunc_end2:
_tile_overlayer_lowered:
.L_overlay_start_2:
0x9f: {  	(tag) =	ssettag $0x2  }
0xa0: {  	s0 =	rddreg [dreg:$0x0];
	s2 =	stileid.u32  }
0xa1: {  	s1 =	rddreg [dreg:$0x1];
	p0 =	sne.s32 s2, $0x0  }
0xa2: {  	s3 =	rddreg [dreg:$0x2];
	[bflag:$0x3] =	sbarrier.arrive $0xFFFF;
	s2 =	simm.s32 @!p0 $0x1C07  }
0xa3: {  	[timem:s3], [sflag:s2] =	dma.local @!p0 [hbm:s0], s1  }
0xa4: {  	s0 =	simm.s32 @!p0 $0x7  }
0xa5: {  	_ =	swait.ge @!p0 [sflag:s0], s1  }
0xa6: {  	s1 =	ssub.s32 @!p0 $0x0, s1;
	[sflag:s0] =	ssyncset.done @!p0 $0x0  }
0xa7: {  	[sflag:s0] =	ssyncadd.s32 @!p0 s1  }
0xa8: {  	[bflag:$0x3] =	sbarrier.arrive $0xFFFF  }
0xa9: {  	_ =	shalt  }

// kernel: sparse-core-data-format-call.cloned.1.call-start
scs
called_computation_lowered:
.L_overlay_start_0:
0x0: {  	s2 =	sld [smem:$0x3FD9]  }
0x1: {  	s3 =	sld [smem:$0x3FFE];
	_ =	sdelay $0x1  }
0x2: {  	s1 =	srdreg.scid  }
0x3: {  	s0 =	sand.u32 $0x1, s1  }
0x4: {  	s18 =	sshll.u32 s0, $0xA;
	s2 =	sadd.s32 s3, s2  }
0x5: {  	s2 =	sadd.s32 s2, s18  }
0x6: {  	[smem:$0x3FC5] =	sst s2  }
0x7: {  	_ = 	snop  }
0x8: {  	s2 =	sld [smem:$0x3FD0];
	(tm) =	ssettm $0x1  }
0x9: {  	s19 =	sld [smem:$0x3FFB];
	_ =	sdelay $0x3  }
0xa: {  	_ =	strace s19  }
0xb: {  	s3 =	sld [smem:$0x3FFC];
	_ =	sdelay $0x3  }
0xc: {  	_ =	strace s3  }
0xd: {  	s3 =	sld [smem:$0x3FFD];
	_ =	sdelay $0x3  }
0xe: {  	_ =	strace s3  }
0xf: {  	_ =	strace $0x8FFFFFFF  }
0x10: {  	s20 =	sld [smem:$0x3FDB];
	_ =	sdelay $0x1  }
0x11: {  	s4 =	simm.s32 $_scs_section_size  }
0x12: {  	s5 =	simm.s32 $_size__tile_overlayer_lowered;
	s6 =	simm.s32 $_tile_overlayer_lowered  }
0x13: {  	s23 =	simm.s32 $0x1BFF;
	s22 =	sshll.u32 s6, $0x1;
	s3 =	sadd.s32 s4, s20  }
0x14: {  	s7 =	simm.s32 $0x0;
	s21 =	sshll.u32 s5, $0x1;
	s5 =	sadd.s32 s22, s3  }
0x15: {  	[timem:s7], [sflag:s23] =	dma.local [hbm:s5], s21  }
0x16: {  	_ =	swait.ge [sflag:s23], s21  }
0x17: {  	s4 =	ssub.s32 $0x0, s21;
	[sflag:s23] =	ssyncset.done $0x0  }
0x18: {  	[sflag:s23] =	ssyncadd.s32 s4;
	_ =	sdelay $0x1  }
0x19: {  	s24 =	simm.s32 $0x1B8B  }
0x1a: {  	_ =	swait.ge [sflag:s24], $0x1  }
0x1b: {  	[sflag:s24] =	ssyncset.done $0x0  }
0x1c: {  	s26 =	simm.s32 $0x1B8E;
	s25 =	sld [smem:$0x3FFE];
	[sflag:s24] =	ssyncadd.s32 $0xFFFFFFFF  }
0x1d: {  	s27 =	simm.s32 $execute0_lowered;
	[smem:$0x3FD2] =	sst s26  }
0x1e: {  	s5 =	sshll.u32 s27, $0x1;
	_ =	strace $0x80000049;
	[dreg:$0x1] =	wrdreg $0xFFFFFFFF  }
0x1f: {  	s28 =	simm.s32 $_size_execute0_lowered;
	s3 =	sadd.s32 s3, s5;
	[dreg:$0x0] =	wrdreg $0x0  }
0x20: {  	s5 =	sshll.u32 s28, $0x1;
	[dreg:$0x2] =	wrdreg s3  }
0x21: {  	[dreg:$0x3] =	wrdreg s5  }
0x22: {  	[dreg:$0x4] =	wrdreg $0xC0  }
0x23: {  	_ =	task [dreg:s7], $0x5FFFF  }
0x24: {  	[dreg:$0x1] =	wrdreg $0xFFFFFFFF  }
0x25: {  	[dreg:$0x0] =	wrdreg $0x60  }
0x26: {  	[dreg:$0x2] =	wrdreg s25  }
0x27: {  	[dreg:$0x3] =	wrdreg s2  }
0x28: {  	[dreg:$0x4] =	wrdreg $0x9  }
0x29: {  	_ =	task.clear_ibuf [dreg:s7], $0x5FFFF;
	_ =	strace $0x90000049  }
0x2a: {  	s29 =	simm.s32 $0x9;
	_ =	strace $0x8000004B  }
0x2b: {  	_ =	swait.ge [sflag:s29], $0x1  }
0x2c: {  	[sflag:s29] =	ssyncadd.s32 $0xFFFFFFFF  }
0x2d: {  	_ =	strace $0x9000004B  }
0x2e: {  	_ =	sfence  }
0x2f: {  	s30 =	sld [smem:$0x0];
	_ =	sdelay $0x2  }
0x30: {  	s31 =	sshll.u32 s1, $0xD;
	s1 =	sshrl.u32 s1, $0x2  }
0x31: {  	s3 =	sand.u32 $0x4000, s31;
	s1 =	sadd.s32 s1, s30  }
0x32: {  	s0 =	sor.u32 s3, s0;
	s1 =	sshll.u32 s1, $0x11  }
0x33: {  	s0 =	sor.u32 s1, s0  }
0x34: {  	s0 =	sadd.s32 $0x8F2B, s0  }
0x35: {  	[sflag:s0] =	ssyncadd.remote.s32 $0x1  }
0x36: {  	_ =	sfence.sel $0xFFFF  }
0x37: {  	[dreg:$0x0] =	wrdreg $0xFFFFFFFF;
	(pc) =	sbr.abs _section_cstart, $3  }
0x38: {  	[dreg:$0x1] =	wrdreg $0xFFFFFFFF  }
0x39: {  	_ =	task.clear_ibuf [dreg:s7], $0x2FFFF;
	_ =	strace $0x9FFFFFFF  }
0x3a: {  	(tm) =	ssettm $0x7FFFFFFF  }
0x3b: {  	_ =	shalt  }
tec
execute0_lowered:
.L_overlay_start_1:
0x0: {  	(tag) =	ssettag $0x1  }
0x1: {  	s0 =	srdreg.scid  }
0x2: {  	s1 =	sshll.u32 s0, $0x4  }
0x3: {  	s0 =	stileid.u32;
	s1 =	sand.u32 $0x10, s1  }
0x4: {  	s1 =	sor.u32 s0, s1  }
0x5: {  	s6 =	rddreg [dreg:$0x0];
	s4 =	simm.s32 $0x1;
	s2 =	sshll.u32 s1, $0x7  }
0x6: {  	s7 =	simm.s32 $0x2;
	s12 =	simm.s32 $0x0;
	s1 =	ssub.s32 $0x1000, s2  }
0x7: {  	s8 =	simm.s32 $0x8000;
	s13 =	simm.s32 $0x0;
	s3 =	sand.u32 $0xF80, s1  }
0x8: {  	s9 =	simm.s32 $0x0;
	s5 =	sshrl.u32 s1, $0xC;
	p0 =	sne.s32 s3, $0x0  }
.Ltmp0:
0x9: {  	s1 =	rddreg [dreg:$0x2];
	s4 =	simm.s32 @!p0 $0x0;
	(pc) =	sbr.rel .LBB1_1-.Ltmp0, $4  }
0xa: {  	s11 =	simm.s32 $0x0;
	s3 =	rddreg [dreg:$0x1];
	s5 =	sadd.s32 s4, s5  }
0xb: {  	_ =	strace $0x8000004A;
	s4 =	simm.s32 $0x1;
	s5 =	smul.u32 $0xC8, s5  }
0xc: {  	s6 =	sadd.s32 $0xC00, s6;
	s10 =	smov.u32 s2;
	[sflag:s4] =	ssyncpa.u1 $0x0  }
0xd: {  	p0 =	por $0x0, $0x0;
	[sflag:s7] =	ssyncpa.u1 $0x0;
	s7 =	sor.u32 $0x1, s5  }
.LBB1_4:
0xe: {  	s16 =	sshll.u32 s13, $0x3;
	s17 =	sand.u32 $0x78, s13  }
0xf: {  	s30 =	sand.u32 $0x7E00, s13;
	s12 =	sshll.u32 s12, $0xF;
	s16 =	sand.u32 $0xC00, s16  }
0x10: {  	[tilespmem:s15+$0x810 ss:$0x81] =	vst.msk $0xffff, v2;
	s31 =	sand.u32 $0x7, s13;
	s16 =	sor.u32 s17, s16;
	s17 =	sadd.s32 s3, s30  }
0x11: {  	[tilespmem:s15+$0x1020 ss:$0x81] =	vst.msk $0xffff, v0;
	s13 =	sshll.u32 s31, $0x12;
	s12 =	sadd.s32 s12, s17;
	s16 =	sshrl.u32 s16, $0x3  }
0x12: {  	[tilespmem:s15+$0x0 ss:$0x81] =	vst.msk $0xffff, v1;
	s13 =	sor.u32 $0x400, s13;
	s12 =	sadd.s32 s16, s12  }
0x13: {  	[hbm4b:s12+s13] =	stream.strided.scatter [tilespmem:s14], [sflag:$0x2], $0x2000, s8, s13, $0x20;
	[tilespmem:$0x8080] =	vst v63  }
.LBB1_5:
0x14: {  	s14 =	sadd.s32 $0x1, s9  }
0x15: {  	s12 =	sadd.s32 $0x1000, s10;
	s16 =	smov.u32 s10;
	p2 =	sgt.s32 s14, $0xC7  }
0x16: {  	s16 =	smov.u32 @p2 s12  }
0x17: {  	s14 =	simm.s32 @p2 $0x0;
	p2 =	sgt.s32 s16, $0xFFF  }
0x18: {  	s16 =	smov.u32 @p2 s2;
	p2 =	sne.s32 s11, s7  }
.Ltmp1:
0x19: {  	p1 =	slt.u32 s11, $0x2;
	(pc) =	sbr.rel @!p2 .LBB1_6-.Ltmp1, $4  }
0x1a: {  	s15 =	simm.s32 @!p1 $0x2  }
0x1b: {  	s13 =	smov.u32 s10;
	p0 =	por !p0, !p0;
	_ =	swait.ge @!p1 [sflag:s15], $0x2000  }
0x1c: {  	s12 =	smov.u32 s9;
	[sflag:s15] =	ssyncset.done @!p1 $0x0;
	s9 =	smov.u32 s14  }
0x1d: {  	s11 =	sadd.s32 $0x1, s11;
	[sflag:s15] =	ssyncadd.s32 @!p1 $0xFFFFE000;
	s10 =	smov.u32 s16  }
.LBB1_1:
0x1e: {  	p1 =	sge.u32 s11, s5  }
0x1f: {  	s14 =	sand.u32 @!p1 $0x1FFFFFF, s9  }
0x20: {  	s15 =	smulhi.u32 @!p1 $0x147AE15, s14;
	_ =	sdelay $0x1  }
0x21: {  	s15 =	smul.u32 @!p1 $0xC8, s15  }
0x22: {  	s16 =	sxor.u32 @!p1 $0xFFFFFFFF, s11;
	s17 =	smul.u32 @!p1 $0xC80, s10  }
0x23: {  	s31 =	sadd.s32 $0xFFFFFFFF, s11;
	s16 =	sshll.u32 @!p1 s16, $0xD;
	s14 =	ssub.s32 @!p1 s14, s15  }
0x24: {  	s15 =	sand.u32 @!p1 $0x2000, s16;
	s16 =	sadd.s32 @!p1 s6, s17;
	s14 =	sshll.u32 @!p1 s14, $0x4  }
0x25: {  	s17 =	simm.s32 @!p1 $0x6400;
	s14 =	sadd.s32 @!p1 s14, s16;
	s16 =	simm.s32 @!p1 $0x40  }
0x26: {  	[tilespmem:s15], [sflag:$0x1] =	stream.strided.gather @!p1 [hbm4b:s14+s16], $0x2000, s17, s16, $0x38;
	[tilespmem:$0x8080] =	vst v63  }
0x27: {  	p1 =	sge.u32 s31, s5  }
.Ltmp2:
0x28: {  	_ = 	snop;
	(pc) =	sbr.rel @p1 .LBB1_5-.Ltmp2, $1  }
0x29: {  	_ =	sdelay $0x3  }
0x2a: {  	s14 =	simm.s32 $0x1  }
0x2b: {  	_ =	swait.ge [sflag:s4], $0x2000;
	s14 =	simm.s32 @!p0 $0x0  }
0x2c: {  	[sflag:s4] =	ssyncset.done $0x0;
	s15 =	sshll.u32 s14, $0xD  }
0x2d: {  	[sflag:s4] =	ssyncadd.s32 $0xFFFFE000;
	s18 =	sor.u32 $0x20, s15  }
0x2e: {  	s14 =	smul.u32 $0x8100, s14;
	v3 =	vld [tilespmem:s18+$0x10]  }
0x2f: {  	s30 =	sand.u32 $0x1, s11;
	v2 =	vld [tilespmem:s18+$0xFFFFFFF0]  }
0x30: {  	s15 =	smul.u32 $0x8100, s30;
	s14 =	sshrl.u32 s14, $0x2;
	v0 =	vld [tilespmem:s18+$0x0]  }
0x31: {  	v1 =	vld [tilespmem:s18+$0xFFFFFFE0];
	s16 =	sor.u32 $0x4000, s14  }
0x32: {  	s31 =	sshrl.u32 s15, $0x2;
	s15 =	sadd.s32 $0x0, s16  }
0x33: {  	s17 =	simm.s32 $0x4;
	s18 =	sadd.s32 $0x40, s18;
	s14 =	sor.u32 $0x4000, s31;
	[tilespmem:s15+$0x1830 ss:$0x81] =	vst.msk $0xffff, v3  }
.LBB1_3:
0x34: {  	v3 =	vld [tilespmem:s18+$0x10];
	p1 =	sne.s32 s17, $0x1FC;
	[tilespmem:s15+$0x810 ss:$0x81] =	vst.msk $0xffff, v2;
	s19 =	smov.u32 s17;
	s17 =	sadd.s32 $0x4, s17  }
.Ltmp3:
0x35: {  	v2 =	vld [tilespmem:s18+$0xFFFFFFF0];
	[tilespmem:s15+$0x1020 ss:$0x81] =	vst.msk $0xffff, v0;
	(pc) =	sbr.rel @p1 .LBB1_3-.Ltmp3, $4  }
0x36: {  	v0 =	vld [tilespmem:s18+$0x0];
	[tilespmem:s15+$0x0 ss:$0x81] =	vst.msk $0xffff, v1  }
0x37: {  	s15 =	sshra.s32 s19, $0x2;
	v1 =	vld [tilespmem:s18+$0xFFFFFFE0]  }
0x38: {  	s15 =	sadd.s32 s15, s16  }
0x39: {  	s18 =	sadd.s32 $0x40, s18;
	[tilespmem:s15+$0x1830 ss:$0x81] =	vst.msk $0xffff, v3  }
.Ltmp4:
0x3a: {  	_ = 	snop;
	(pc) =	sbr.rel .LBB1_4-.Ltmp4, $1  }
0x3b: {  	_ =	sdelay $0x3  }
.LBB1_6:
0x3c: {  	_ =	sfence.sel $0x180000  }
0x3d: {  	s2 =	simm.s32 $0x1;
	[bflag:$0x0] =	sbarrier.arrive $0xFFFF  }
0x3e: {  	s31 =	simm.s32 $0x2;
	[sflag:s2] =	ssyncpa.u1 $0x1  }
0x3f: {  	[sflag:s31] =	ssyncpa.u1 $0x1  }
0x40: {  	p0 =	sne.s32 s0, $0x0;
	_ =	strace $0x9000004A  }
0x41: {  	s0 =	sadd.s32 @!p0 $0x100000, s1;
	[bflag:$0x2] =	sbarrier.arrive $0xFFFF  }
0x42: {  	[sflag:s0] =	ssyncadd.tile.s32 @!p0 $0x1;
	_ =	shalt  }
.Lfunc_end1:
_tile_overlayer_lowered:
.L_overlay_start_2:
0x43: {  	(tag) =	ssettag $0x2  }
0x44: {  	s0 =	rddreg [dreg:$0x0];
	s2 =	stileid.u32  }
0x45: {  	s1 =	rddreg [dreg:$0x1];
	p0 =	sne.s32 s2, $0x0  }
0x46: {  	s3 =	rddreg [dreg:$0x2];
	[bflag:$0x3] =	sbarrier.arrive $0xFFFF;
	s2 =	simm.s32 @!p0 $0x1C01  }
0x47: {  	[timem:s3], [sflag:s2] =	dma.local @!p0 [hbm:s0], s1  }
0x48: {  	s0 =	simm.s32 @!p0 $0x1  }
0x49: {  	_ =	swait.ge @!p0 [sflag:s0], s1  }
0x4a: {  	s1 =	ssub.s32 @!p0 $0x0, s1;
	[sflag:s0] =	ssyncset.done @!p0 $0x0  }
0x4b: {  	[sflag:s0] =	ssyncadd.s32 @!p0 s1  }
0x4c: {  	[bflag:$0x3] =	sbarrier.arrive $0xFFFF  }
0x4d: {  	_ =	shalt  }

</sc_bundles>
